<compile_context>
chip_gen: v7x
topology: tpu7x:2x2x1
jax: 0.10.2.dev20260603
libtpu: 0.0.44.dev20260713+nightly
codegen_flags: <defaults>
</compile_context>

<pallas_src>
import functools

import jax
import jax.numpy as jnp
from jax import lax
from jax.experimental import pallas as pl
from jax.experimental.pallas import tpu as pltpu
from jax.experimental.pallas import tpu_sc as plsc

N = 10000
E = 160000
C = 256
H = 128
NS = 16
CK = 128
EPT = 10240
CH = EPT // CK
EP = EPT * NS
RPT = 632
NPAD = RPT * NS
RB = 1000
CP = 10

_MESH = dict(core_axis_name="c", subcore_axis_name="s", num_cores=2,
             num_subcores=NS)



def _agg_pallas(hh2, src6, dst5):

    @functools.partial(
        pl.kernel,
        out_type=jax.ShapeDtypeStruct((2 * NPAD, H), jnp.float32),
        mesh=plsc.VectorSubcoreMesh(**_MESH),
        scratch_types=[
            pltpu.VMEM((CH // 2, CK), jnp.int32),
            pltpu.VMEM((CH // 2, CK), jnp.int32),
            pltpu.VMEM((CK, H), jnp.float32),
            pltpu.VMEM((CK, H), jnp.float32),
            pltpu.VMEM_SHARED((NPAD, H), jnp.float32),
            pltpu.SemaphoreType.DMA,
            pltpu.SemaphoreType.DMA,
        ],
    )
    def k(hh_hbm, src_hbm, dst_hbm, zz_hbm, out_hbm, src_v, dst_v, g0,
          g1, acc, s0, s1):
        c = lax.axis_index("c")
        s = lax.axis_index("s")
        base = s * RPT

        pltpu.sync_copy(zz_hbm, acc.at[pl.ds(base, RPT)])
        plsc.subcore_barrier()

        half = CH // 2

        @pl.loop(0, 2)
        def _(p):
            pltpu.sync_copy(src_hbm.at[(c * NS + s) * 2 + p], src_v)
            pltpu.sync_copy(dst_hbm.at[s * 2 + p], dst_v)
            pltpu.async_copy(hh_hbm.at[src_v.at[0]], g0, s0)

            @pl.loop(0, half, step=2)
            def _(j):
                pltpu.async_copy(hh_hbm.at[src_v.at[j + 1]], g1, s1)
                pltpu.make_async_copy(hh_hbm.at[src_v.at[j]], g0, s0).wait()
                pltpu.sync_copy(g0, acc.at[dst_v.at[j]], add=True)

                @pl.when(j + 2 < half)
                def _():
                    pltpu.async_copy(hh_hbm.at[src_v.at[j + 2]], g0, s0)

                pltpu.make_async_copy(hh_hbm.at[src_v.at[j + 1]], g1, s1).wait()
                pltpu.sync_copy(g1, acc.at[dst_v.at[j + 1]], add=True)

        plsc.subcore_barrier()

        @pl.loop(0, 4)
        def _(kk):
            pltpu.sync_copy(acc.at[pl.ds(base + kk * CK, CK)], g0)
            pltpu.sync_copy(g0, out_hbm.at[pl.ds(c * NPAD + base + kk * CK,
                                                 CK)])

        rem = RPT - 4 * CK
        pltpu.sync_copy(acc.at[pl.ds(base + 4 * CK, rem)],
                        g0.at[pl.ds(0, rem)])
        pltpu.sync_copy(g0.at[pl.ds(0, rem)],
                        out_hbm.at[pl.ds(c * NPAD + base + 4 * CK, rem)])
        plsc.subcore_barrier()

    return k(hh2, src6, dst5, jnp.zeros((RPT, H), jnp.float32))



def _mm1_body(x_ref, w_ref, o_ref):
    o_ref[...] = jnp.dot(x_ref[...], w_ref[...],
                         preferred_element_type=jnp.float32)


def _mm1(x, W1):
    return pl.pallas_call(
        _mm1_body,
        grid=(N // RB,),
        in_specs=[pl.BlockSpec((RB, C), lambda i: (i, 0)),
                  pl.BlockSpec((C, C), lambda i: (0, 0))],
        out_specs=pl.BlockSpec((RB, C), lambda i: (i, 0)),
        out_shape=jax.ShapeDtypeStruct((N, C), jnp.float32),
    )(x, W1)


def _deg_body(dst_ref, o_ref):
    i = pl.program_id(0)

    @pl.when(i == 0)
    def _():
        o_ref[...] = jnp.zeros_like(o_ref)

    d = dst_ref[...]
    lo = d % 128
    hi = d // 128
    a = (lo == lax.broadcasted_iota(jnp.int32, (1024, 128), 1)
         ).astype(jnp.float32)
    b = (hi == lax.broadcasted_iota(jnp.int32, (1024, 80), 1)
         ).astype(jnp.float32)
    o_ref[...] += lax.dot_general(a, b, (((0,), (0,)), ((), ())),
                                  preferred_element_type=jnp.float32)


def _deg_tc(dstc):
    return pl.pallas_call(
        _deg_body,
        grid=(EP // 1024,),
        in_specs=[pl.BlockSpec((1024, 1), lambda i: (i, 0))],
        out_specs=pl.BlockSpec((128, 80), lambda i: (0, 0)),
        out_shape=jax.ShapeDtypeStruct((128, 80), jnp.float32),
    )(dstc)


def _dinv(deg_ref):
    return lax.rsqrt(deg_ref[...] + 1.0)


def _scale_body(h_ref, deg_ref, o_ref):
    o_ref[0] = h_ref[...] * _dinv(deg_ref)


def _scale(h1, deg):
    return pl.pallas_call(
        _scale_body,
        grid=(N // RB, 2),
        in_specs=[pl.BlockSpec((RB, H), lambda i, c: (i, c)),
                  pl.BlockSpec((RB, 1), lambda i, c: (i, 0))],
        out_specs=pl.BlockSpec((1, RB, H), lambda i, c: (c, i, 0)),
        out_shape=jax.ShapeDtypeStruct((2, N, H), jnp.float32),
    )(h1, deg)


def _mid_body(agg_ref, hh_ref, deg_ref, w_ref, b_ref, o_ref):
    t = jnp.concatenate([agg_ref[0] + hh_ref[0], agg_ref[1] + hh_ref[1]],
                        axis=1)
    dinv = _dinv(deg_ref)
    z = t * dinv + b_ref[...]
    z = jnp.where(z > 0, z, 0.01 * z)
    h2 = jnp.dot(z, w_ref[...], preferred_element_type=jnp.float32)
    hh2 = h2 * dinv
    o_ref[0] = hh2[:, :H]
    o_ref[1] = hh2[:, H:]


def _mid(agg1, hh1, deg, W2, b1):
    return pl.pallas_call(
        _mid_body,
        grid=(N // RB,),
        in_specs=[pl.BlockSpec((2, RB, H), lambda i: (0, i, 0)),
                  pl.BlockSpec((2, RB, H), lambda i: (0, i, 0)),
                  pl.BlockSpec((RB, 1), lambda i: (i, 0)),
                  pl.BlockSpec((C, C), lambda i: (0, 0)),
                  pl.BlockSpec((1, C), lambda i: (0, 0))],
        out_specs=pl.BlockSpec((2, RB, H), lambda i: (0, i, 0)),
        out_shape=jax.ShapeDtypeStruct((2, N, H), jnp.float32),
    )(agg1, hh1, deg, W2, b1)


def _out_body(agg_ref, hh_ref, deg_ref, b_ref, o_ref):
    t = jnp.concatenate([agg_ref[0] + hh_ref[0], agg_ref[1] + hh_ref[1]],
                        axis=1)
    o_ref[...] = t * _dinv(deg_ref) + b_ref[...]


def _combine(agg2, hh2, deg, b2):
    return pl.pallas_call(
        _out_body,
        grid=(N // RB,),
        in_specs=[pl.BlockSpec((2, RB, H), lambda i: (0, i, 0)),
                  pl.BlockSpec((2, RB, H), lambda i: (0, i, 0)),
                  pl.BlockSpec((RB, 1), lambda i: (i, 0)),
                  pl.BlockSpec((1, C), lambda i: (0, 0))],
        out_specs=pl.BlockSpec((RB, C), lambda i: (i, 0)),
        out_shape=jax.ShapeDtypeStruct((N, C), jnp.float32),
    )(agg2, hh2, deg, b2)



def kernel(x, edge_index, W1, b1, W2, b2):
    src = edge_index[0].astype(jnp.int32)
    dst = edge_index[1].astype(jnp.int32)
    pad = EP - E
    pi = jnp.arange(pad, dtype=jnp.int32)
    srcp = jnp.concatenate([src, pi % N])
    dstp = jnp.concatenate([dst, N + (pi % 16)])
    src6 = (srcp[None, :] + jnp.array([0, N], jnp.int32)[:, None]
            ).reshape(2 * NS * 2, CH // 2, CK)
    dst5 = dstp.reshape(NS * 2, CH // 2, CK)

    degt = _deg_tc(dstp.reshape(EP, 1))
    deg = degt.T.reshape(10240, 1)

    h1 = _mm1(x, W1)
    hh1 = _scale(h1, deg)

    agg1 = _agg_pallas(hh1.reshape(2 * N, H), src6, dst5
                       ).reshape(2, NPAD, H)
    hh2 = _mid(agg1, hh1, deg, W2, b1.reshape(1, C))

    agg2 = _agg_pallas(hh2.reshape(2 * N, H), src6, dst5
                       ).reshape(2, NPAD, H)
    return _combine(agg2, hh2, deg, b2.reshape(1, C))

# --- scband reference (transcript-rebuilt; emitter-appended) ---
"""Pipeline reference for scband-dnencoder-48318382080101 (READ-ONLY COPY).

The authoritative reference and input builder live on the scoring server;
editing this copy changes nothing except your own understanding.
"""

import jax, jax.numpy as jnp
import numpy as np

N_NODES = 10000
N_EDGES = 160000
IN_C = 256
H_C = 256
OUT_C = 256


def setup_inputs(seed: int = 0) -> dict:
    key = jax.random.key(seed)
    k1, k2, k3, k4, k5, k6 = jax.random.split(key, 6)
    x = jax.random.normal(k1, (N_NODES, IN_C), dtype=jnp.float32)
    edge_index = jax.random.randint(k2, (2, N_EDGES), 0, N_NODES, dtype=jnp.int64)
    # GCNConv weights (glorot-style) and biases
    W1 = jax.random.normal(k3, (IN_C, H_C), dtype=jnp.float32) * (1.0 / np.sqrt(IN_C))
    b1 = jnp.zeros((H_C,), dtype=jnp.float32)
    W2 = jax.random.normal(k4, (H_C, OUT_C), dtype=jnp.float32) * (1.0 / np.sqrt(H_C))
    b2 = jnp.zeros((OUT_C,), dtype=jnp.float32)
    return {"x": x, "edge_index": edge_index, "W1": W1, "b1": b1, "W2": W2, "b2": b2}


def _gcn_conv(x, src, dst, W, b):
    # PyG GCNConv: add self-loops, symmetric normalization, linear transform,
    # scatter-add aggregation, bias.
    n = x.shape[0]
    loop = jnp.arange(n, dtype=src.dtype)
    src_f = jnp.concatenate([src, loop])
    dst_f = jnp.concatenate([dst, loop])
    deg = jnp.zeros((n,), dtype=x.dtype).at[dst_f].add(1.0)
    dinv = jnp.where(deg > 0, deg ** -0.5, 0.0)
    norm = dinv[src_f] * dinv[dst_f]
    h = x @ W
    msg = h[src_f] * norm[:, None]
    out = jnp.zeros((n, h.shape[1]), dtype=x.dtype).at[dst_f].add(msg)
    return out + b


def reference(x, edge_index, W1, b1, W2, b2):
    src, dst = edge_index[0], edge_index[1]
    h = _gcn_conv(x, src, dst, W1, b1)
    h = jax.nn.leaky_relu(h, negative_slope=0.01)
    out = _gcn_conv(h, src, dst, W2, b2)
    return out

if __name__ == "__main__":
    import jax
    _d = setup_inputs()
    print(jax.jit(kernel)(*tuple(_d.values())))

</pallas_src>

<mosaic_0001>
#map = affine_map<(d0, d1) -> (0, 0)>
#map1 = affine_map<(d0, d1) -> (0, 0, 0)>
module attributes {stable_mosaic.version = 14 : i64} {
  func.func @k(%arg0: i32, %arg1: i32, %arg2: memref<20000x128xf32, #tpu.memory_space<hbm>>, %arg3: memref<64x40x128xi32, #tpu.memory_space<hbm>>, %arg4: memref<32x40x128xi32, #tpu.memory_space<hbm>>, %arg5: memref<632x128xf32, #tpu.memory_space<hbm>>, %arg6: memref<20224x128xf32, #tpu.memory_space<hbm>>, %arg7: memref<40x128xi32, #tpu.memory_space<vmem>>, %arg8: memref<40x128xi32, #tpu.memory_space<vmem>>, %arg9: memref<128x128xf32, #tpu.memory_space<vmem>>, %arg10: memref<128x128xf32, #tpu.memory_space<vmem>>, %arg11: memref<10112x128xf32, #tpu.memory_space<vmem_shared>>, %arg12: memref<!tpu.dma_semaphore, #tpu.memory_space<semaphore_mem>>, %arg13: memref<!tpu.dma_semaphore, #tpu.memory_space<semaphore_mem>>) attributes {dimension_semantics = [#tpu.dimension_semantics<core_parallel>, #tpu.dimension_semantics<subcore_parallel>], iteration_bounds = array<i64: 2, 16>, scalar_prefetch = 0 : i64, scratch_operands = 7 : i64, tpu.core_type = #tpu.core_type<sc_vector_subcore>, window_params = [{transform_indices = #map}, {transform_indices = #map1}, {transform_indices = #map1}, {transform_indices = #map}, {transform_indices = #map}]} {
    %mul3A = arith.constant 632 : i32
    %mul3A_0 = arith.muli %arg1, %mul3A : i32
    "tpu.region"() ({
      %run_scoped3A = tpu.sem_alloc : memref<!tpu.dma_semaphore, #tpu.memory_space<semaphore_mem>>
      %dma_start3A = arith.constant 0 : i32
      %dma_start3A_18 = tpu.memref_slice %arg11[%mul3A_0, %dma_start3A] : memref<10112x128xf32, #tpu.memory_space<vmem_shared>> -> memref<632x128xf32, #tpu.memory_space<vmem_shared>>
      tpu.enqueue_dma source(%arg5 : memref<632x128xf32, #tpu.memory_space<hbm>>) target(%dma_start3A_18 : memref<632x128xf32, #tpu.memory_space<vmem_shared>>) target_semaphore(%run_scoped3A : memref<!tpu.dma_semaphore, #tpu.memory_space<semaphore_mem>>)
      %dma_wait3A = arith.constant 0 : i32
      %dma_wait3A_19 = tpu.memref_slice %arg11[%mul3A_0, %dma_wait3A] : memref<10112x128xf32, #tpu.memory_space<vmem_shared>> -> memref<632x128xf32, #tpu.memory_space<vmem_shared>>
      tpu.wait_dma2 semaphore(%run_scoped3A : memref<!tpu.dma_semaphore, #tpu.memory_space<semaphore_mem>>) src(%arg5 : memref<632x128xf32, #tpu.memory_space<hbm>>) dst(%dma_wait3A_19 : memref<632x128xf32, #tpu.memory_space<vmem_shared>>)
      tpu.yield
    }) : () -> ()
    %barrier3A = arith.constant 0 : index
    tpu.barrier barrier_id(%barrier3A)
    %scan3A = arith.constant 0 : i32
    %scan3A_1 = arith.constant 2 : i32
    %scan3A_2 = arith.addi %scan3A, %scan3A_1 : i32
    %scan3A_3 = arith.constant 1 : i32
    scf.for %scan3A_18 = %scan3A to %scan3A_2 step %scan3A_3  : i32 {
      %mul3A_19 = arith.constant 1 : i32
      %mul3A_20 = arith.muli %scan3A_18, %mul3A_19 : i32
      %add3A_21 = arith.constant 0 : i32
      %add3A_22 = arith.addi %add3A_21, %mul3A_20 : i32
      %mul3A_23 = arith.constant 16 : i32
      %mul3A_24 = arith.muli %arg0, %mul3A_23 : i32
      %add3A_25 = arith.addi %mul3A_24, %arg1 : i32
      %mul3A_26 = arith.constant 2 : i32
      %mul3A_27 = arith.muli %add3A_25, %mul3A_26 : i32
      %add3A_28 = arith.addi %mul3A_27, %add3A_22 : i32
      "tpu.region"() ({
        %run_scoped3A = tpu.sem_alloc : memref<!tpu.dma_semaphore, #tpu.memory_space<semaphore_mem>>
        %dma_start3A_43 = arith.constant 0 : i32
        %dma_start3A_44 = arith.constant 0 : i32
        %dma_start3A_45 = tpu.memref_slice %arg3[%add3A_28, %dma_start3A_43, %dma_start3A_44] : memref<64x40x128xi32, #tpu.memory_space<hbm>> -> memref<1x40x128xi32, #tpu.memory_space<hbm>>
        %dma_start3A_46 = tpu.memref_squeeze %dma_start3A_45 : memref<1x40x128xi32, #tpu.memory_space<hbm>> -> memref<40x128xi32, #tpu.memory_space<hbm>>
        %dma_start3A_47 = arith.constant 0 : i32
        %dma_start3A_48 = arith.constant 0 : i32
        %dma_start3A_49 = tpu.memref_slice %arg3[%add3A_28, %dma_start3A_47, %dma_start3A_48] : memref<64x40x128xi32, #tpu.memory_space<hbm>> -> memref<1x40x128xi32, #tpu.memory_space<hbm>>
        %dma_start3A_50 = tpu.memref_squeeze %dma_start3A_49 : memref<1x40x128xi32, #tpu.memory_space<hbm>> -> memref<40x128xi32, #tpu.memory_space<hbm>>
        tpu.enqueue_dma source(%dma_start3A_50 : memref<40x128xi32, #tpu.memory_space<hbm>>) target(%arg7 : memref<40x128xi32, #tpu.memory_space<vmem>>) target_semaphore(%run_scoped3A : memref<!tpu.dma_semaphore, #tpu.memory_space<semaphore_mem>>)
        %dma_wait3A = arith.constant 0 : i32
        %dma_wait3A_51 = arith.constant 0 : i32
        %dma_wait3A_52 = tpu.memref_slice %arg3[%add3A_28, %dma_wait3A, %dma_wait3A_51] : memref<64x40x128xi32, #tpu.memory_space<hbm>> -> memref<1x40x128xi32, #tpu.memory_space<hbm>>
        %dma_wait3A_53 = tpu.memref_squeeze %dma_wait3A_52 : memref<1x40x128xi32, #tpu.memory_space<hbm>> -> memref<40x128xi32, #tpu.memory_space<hbm>>
        %dma_wait3A_54 = arith.constant 0 : i32
        %dma_wait3A_55 = arith.constant 0 : i32
        %dma_wait3A_56 = tpu.memref_slice %arg3[%add3A_28, %dma_wait3A_54, %dma_wait3A_55] : memref<64x40x128xi32, #tpu.memory_space<hbm>> -> memref<1x40x128xi32, #tpu.memory_space<hbm>>
        %dma_wait3A_57 = tpu.memref_squeeze %dma_wait3A_56 : memref<1x40x128xi32, #tpu.memory_space<hbm>> -> memref<40x128xi32, #tpu.memory_space<hbm>>
        tpu.wait_dma2 semaphore(%run_scoped3A : memref<!tpu.dma_semaphore, #tpu.memory_space<semaphore_mem>>) src(%dma_wait3A_57 : memref<40x128xi32, #tpu.memory_space<hbm>>) dst(%arg7 : memref<40x128xi32, #tpu.memory_space<vmem>>)
        tpu.yield
      }) : () -> ()
      %mul3A_29 = arith.constant 2 : i32
      %mul3A_30 = arith.muli %arg1, %mul3A_29 : i32
      %add3A_31 = arith.addi %mul3A_30, %add3A_22 : i32
      "tpu.region"() ({
        %run_scoped3A = tpu.sem_alloc : memref<!tpu.dma_semaphore, #tpu.memory_space<semaphore_mem>>
        %dma_start3A_43 = arith.constant 0 : i32
        %dma_start3A_44 = arith.constant 0 : i32
        %dma_start3A_45 = tpu.memref_slice %arg4[%add3A_31, %dma_start3A_43, %dma_start3A_44] : memref<32x40x128xi32, #tpu.memory_space<hbm>> -> memref<1x40x128xi32, #tpu.memory_space<hbm>>
        %dma_start3A_46 = tpu.memref_squeeze %dma_start3A_45 : memref<1x40x128xi32, #tpu.memory_space<hbm>> -> memref<40x128xi32, #tpu.memory_space<hbm>>
        %dma_start3A_47 = arith.constant 0 : i32
        %dma_start3A_48 = arith.constant 0 : i32
        %dma_start3A_49 = tpu.memref_slice %arg4[%add3A_31, %dma_start3A_47, %dma_start3A_48] : memref<32x40x128xi32, #tpu.memory_space<hbm>> -> memref<1x40x128xi32, #tpu.memory_space<hbm>>
        %dma_start3A_50 = tpu.memref_squeeze %dma_start3A_49 : memref<1x40x128xi32, #tpu.memory_space<hbm>> -> memref<40x128xi32, #tpu.memory_space<hbm>>
        tpu.enqueue_dma source(%dma_start3A_50 : memref<40x128xi32, #tpu.memory_space<hbm>>) target(%arg8 : memref<40x128xi32, #tpu.memory_space<vmem>>) target_semaphore(%run_scoped3A : memref<!tpu.dma_semaphore, #tpu.memory_space<semaphore_mem>>)
        %dma_wait3A = arith.constant 0 : i32
        %dma_wait3A_51 = arith.constant 0 : i32
        %dma_wait3A_52 = tpu.memref_slice %arg4[%add3A_31, %dma_wait3A, %dma_wait3A_51] : memref<32x40x128xi32, #tpu.memory_space<hbm>> -> memref<1x40x128xi32, #tpu.memory_space<hbm>>
        %dma_wait3A_53 = tpu.memref_squeeze %dma_wait3A_52 : memref<1x40x128xi32, #tpu.memory_space<hbm>> -> memref<40x128xi32, #tpu.memory_space<hbm>>
        %dma_wait3A_54 = arith.constant 0 : i32
        %dma_wait3A_55 = arith.constant 0 : i32
        %dma_wait3A_56 = tpu.memref_slice %arg4[%add3A_31, %dma_wait3A_54, %dma_wait3A_55] : memref<32x40x128xi32, #tpu.memory_space<hbm>> -> memref<1x40x128xi32, #tpu.memory_space<hbm>>
        %dma_wait3A_57 = tpu.memref_squeeze %dma_wait3A_56 : memref<1x40x128xi32, #tpu.memory_space<hbm>> -> memref<40x128xi32, #tpu.memory_space<hbm>>
        tpu.wait_dma2 semaphore(%run_scoped3A : memref<!tpu.dma_semaphore, #tpu.memory_space<semaphore_mem>>) src(%dma_wait3A_57 : memref<40x128xi32, #tpu.memory_space<hbm>>) dst(%arg8 : memref<40x128xi32, #tpu.memory_space<vmem>>)
        tpu.yield
      }) : () -> ()
      %dma_start3A = arith.constant 0 : i32
      %dma_start3A_32 = arith.constant 0 : i32
      %dma_start3A_33 = tpu.memref_slice %arg7[%dma_start3A, %dma_start3A_32] : memref<40x128xi32, #tpu.memory_space<vmem>> -> memref<1x128xi32, #tpu.memory_space<vmem>>
      %dma_start3A_34 = tpu.memref_squeeze %dma_start3A_33 : memref<1x128xi32, #tpu.memory_space<vmem>> -> memref<128xi32, #tpu.memory_space<vmem>>
      %dma_start3A_35 = arith.constant 0 : i32
      %dma_start3A_36 = arith.constant 0 : i32
      %dma_start3A_37 = tpu.memref_slice %arg2[%dma_start3A_35, %dma_start3A_36] : memref<20000x128xf32, #tpu.memory_space<hbm>> -> memref<20000x128xf32, #tpu.memory_space<hbm>>
      tpu.enqueue_indirect_dma source(%dma_start3A_37 : memref<20000x128xf32, #tpu.memory_space<hbm>>) target(%arg9 : memref<128x128xf32, #tpu.memory_space<vmem>>) offsets(%dma_start3A_34 : memref<128xi32, #tpu.memory_space<vmem>>) semaphore(%arg12 : memref<!tpu.dma_semaphore, #tpu.memory_space<semaphore_mem>>)
      %scan3A_38 = arith.constant 0 : i32
      %scan3A_39 = arith.constant 20 : i32
      %scan3A_40 = arith.addi %scan3A_38, %scan3A_39 : i32
      %scan3A_41 = arith.constant 1 : i32
      scf.for %scan3A_43 = %scan3A_38 to %scan3A_40 step %scan3A_41  : i32 {
        %mul3A_44 = arith.constant 2 : i32
        %mul3A_45 = arith.muli %scan3A_43, %mul3A_44 : i32
        %add3A_46 = arith.constant 0 : i32
        %add3A_47 = arith.addi %add3A_46, %mul3A_45 : i32
        %add3A_48 = arith.constant 1 : i32
        %add3A_49 = arith.addi %add3A_47, %add3A_48 : i32
        %dma_start3A_50 = arith.constant 0 : i32
        %dma_start3A_51 = tpu.memref_slice %arg7[%add3A_49, %dma_start3A_50] : memref<40x128xi32, #tpu.memory_space<vmem>> -> memref<1x128xi32, #tpu.memory_space<vmem>>
        %dma_start3A_52 = tpu.memref_squeeze %dma_start3A_51 : memref<1x128xi32, #tpu.memory_space<vmem>> -> memref<128xi32, #tpu.memory_space<vmem>>
        %dma_start3A_53 = arith.constant 0 : i32
        %dma_start3A_54 = arith.constant 0 : i32
        %dma_start3A_55 = tpu.memref_slice %arg2[%dma_start3A_53, %dma_start3A_54] : memref<20000x128xf32, #tpu.memory_space<hbm>> -> memref<20000x128xf32, #tpu.memory_space<hbm>>
        tpu.enqueue_indirect_dma source(%dma_start3A_55 : memref<20000x128xf32, #tpu.memory_space<hbm>>) target(%arg10 : memref<128x128xf32, #tpu.memory_space<vmem>>) offsets(%dma_start3A_52 : memref<128xi32, #tpu.memory_space<vmem>>) semaphore(%arg13 : memref<!tpu.dma_semaphore, #tpu.memory_space<semaphore_mem>>)
        %dma_wait3A = arith.constant 0 : i32
        %dma_wait3A_56 = tpu.memref_slice %arg7[%add3A_47, %dma_wait3A] : memref<40x128xi32, #tpu.memory_space<vmem>> -> memref<1x128xi32, #tpu.memory_space<vmem>>
        %dma_wait3A_57 = tpu.memref_squeeze %dma_wait3A_56 : memref<1x128xi32, #tpu.memory_space<vmem>> -> memref<128xi32, #tpu.memory_space<vmem>>
        %dma_wait3A_58 = arith.constant 0 : i32
        %dma_wait3A_59 = arith.constant 0 : i32
        %dma_wait3A_60 = tpu.memref_slice %arg2[%dma_wait3A_58, %dma_wait3A_59] : memref<20000x128xf32, #tpu.memory_space<hbm>> -> memref<20000x128xf32, #tpu.memory_space<hbm>>
        tpu.wait_indirect_dma semaphore(%arg12 : memref<!tpu.dma_semaphore, #tpu.memory_space<semaphore_mem>>) src(%dma_wait3A_60 : memref<20000x128xf32, #tpu.memory_space<hbm>>) dst(%arg9 : memref<128x128xf32, #tpu.memory_space<vmem>>)
        "tpu.region"() ({
          %run_scoped3A = tpu.sem_alloc : memref<!tpu.dma_semaphore, #tpu.memory_space<semaphore_mem>>
          %dma_start3A_75 = arith.constant 0 : i32
          %dma_start3A_76 = tpu.memref_slice %arg8[%add3A_47, %dma_start3A_75] : memref<40x128xi32, #tpu.memory_space<vmem>> -> memref<1x128xi32, #tpu.memory_space<vmem>>
          %dma_start3A_77 = tpu.memref_squeeze %dma_start3A_76 : memref<1x128xi32, #tpu.memory_space<vmem>> -> memref<128xi32, #tpu.memory_space<vmem>>
          %dma_start3A_78 = arith.constant 0 : i32
          %dma_start3A_79 = arith.constant 0 : i32
          %dma_start3A_80 = tpu.memref_slice %arg11[%dma_start3A_78, %dma_start3A_79] : memref<10112x128xf32, #tpu.memory_space<vmem_shared>> -> memref<10112x128xf32, #tpu.memory_space<vmem_shared>>
          tpu.enqueue_indirect_dma source(%arg9 : memref<128x128xf32, #tpu.memory_space<vmem>>) target(%dma_start3A_80 : memref<10112x128xf32, #tpu.memory_space<vmem_shared>>) offsets(%dma_start3A_77 : memref<128xi32, #tpu.memory_space<vmem>>) semaphore(%run_scoped3A : memref<!tpu.dma_semaphore, #tpu.memory_space<semaphore_mem>>) {add = true}
          %dma_wait3A_81 = arith.constant 0 : i32
          %dma_wait3A_82 = tpu.memref_slice %arg8[%add3A_47, %dma_wait3A_81] : memref<40x128xi32, #tpu.memory_space<vmem>> -> memref<1x128xi32, #tpu.memory_space<vmem>>
          %dma_wait3A_83 = tpu.memref_squeeze %dma_wait3A_82 : memref<1x128xi32, #tpu.memory_space<vmem>> -> memref<128xi32, #tpu.memory_space<vmem>>
          %dma_wait3A_84 = arith.constant 0 : i32
          %dma_wait3A_85 = arith.constant 0 : i32
          %dma_wait3A_86 = tpu.memref_slice %arg11[%dma_wait3A_84, %dma_wait3A_85] : memref<10112x128xf32, #tpu.memory_space<vmem_shared>> -> memref<10112x128xf32, #tpu.memory_space<vmem_shared>>
          tpu.wait_indirect_dma semaphore(%run_scoped3A : memref<!tpu.dma_semaphore, #tpu.memory_space<semaphore_mem>>) src(%arg9 : memref<128x128xf32, #tpu.memory_space<vmem>>) dst(%dma_wait3A_86 : memref<10112x128xf32, #tpu.memory_space<vmem_shared>>)
          tpu.yield
        }) : () -> ()
        %add3A_61 = arith.constant 2 : i32
        %add3A_62 = arith.addi %add3A_47, %add3A_61 : i32
        %lt3A = arith.constant 40 : i32
        %lt3A_63 = arith.cmpi slt, %add3A_62, %lt3A : i32
        %convert_element_type3A = arith.extui %lt3A_63 : i1 to i32
        %cond3A = arith.constant 0 : i32
        %cond3A_64 = arith.cmpi ne, %convert_element_type3A, %cond3A : i32
        scf.if %cond3A_64 {
          %add3A_75 = arith.constant 2 : i32
          %add3A_76 = arith.addi %add3A_47, %add3A_75 : i32
          %dma_start3A_77 = arith.constant 0 : i32
          %dma_start3A_78 = tpu.memref_slice %arg7[%add3A_76, %dma_start3A_77] : memref<40x128xi32, #tpu.memory_space<vmem>> -> memref<1x128xi32, #tpu.memory_space<vmem>>
          %dma_start3A_79 = tpu.memref_squeeze %dma_start3A_78 : memref<1x128xi32, #tpu.memory_space<vmem>> -> memref<128xi32, #tpu.memory_space<vmem>>
          %dma_start3A_80 = arith.constant 0 : i32
          %dma_start3A_81 = arith.constant 0 : i32
          %dma_start3A_82 = tpu.memref_slice %arg2[%dma_start3A_80, %dma_start3A_81] : memref<20000x128xf32, #tpu.memory_space<hbm>> -> memref<20000x128xf32, #tpu.memory_space<hbm>>
          tpu.enqueue_indirect_dma source(%dma_start3A_82 : memref<20000x128xf32, #tpu.memory_space<hbm>>) target(%arg9 : memref<128x128xf32, #tpu.memory_space<vmem>>) offsets(%dma_start3A_79 : memref<128xi32, #tpu.memory_space<vmem>>) semaphore(%arg12 : memref<!tpu.dma_semaphore, #tpu.memory_space<semaphore_mem>>)
        } else {
        }
        %add3A_65 = arith.constant 1 : i32
        %add3A_66 = arith.addi %add3A_47, %add3A_65 : i32
        %dma_wait3A_67 = arith.constant 0 : i32
        %dma_wait3A_68 = tpu.memref_slice %arg7[%add3A_66, %dma_wait3A_67] : memref<40x128xi32, #tpu.memory_space<vmem>> -> memref<1x128xi32, #tpu.memory_space<vmem>>
        %dma_wait3A_69 = tpu.memref_squeeze %dma_wait3A_68 : memref<1x128xi32, #tpu.memory_space<vmem>> -> memref<128xi32, #tpu.memory_space<vmem>>
        %dma_wait3A_70 = arith.constant 0 : i32
        %dma_wait3A_71 = arith.constant 0 : i32
        %dma_wait3A_72 = tpu.memref_slice %arg2[%dma_wait3A_70, %dma_wait3A_71] : memref<20000x128xf32, #tpu.memory_space<hbm>> -> memref<20000x128xf32, #tpu.memory_space<hbm>>
        tpu.wait_indirect_dma semaphore(%arg13 : memref<!tpu.dma_semaphore, #tpu.memory_space<semaphore_mem>>) src(%dma_wait3A_72 : memref<20000x128xf32, #tpu.memory_space<hbm>>) dst(%arg10 : memref<128x128xf32, #tpu.memory_space<vmem>>)
        %add3A_73 = arith.constant 1 : i32
        %add3A_74 = arith.addi %add3A_47, %add3A_73 : i32
        "tpu.region"() ({
          %run_scoped3A = tpu.sem_alloc : memref<!tpu.dma_semaphore, #tpu.memory_space<semaphore_mem>>
          %dma_start3A_75 = arith.constant 0 : i32
          %dma_start3A_76 = tpu.memref_slice %arg8[%add3A_74, %dma_start3A_75] : memref<40x128xi32, #tpu.memory_space<vmem>> -> memref<1x128xi32, #tpu.memory_space<vmem>>
          %dma_start3A_77 = tpu.memref_squeeze %dma_start3A_76 : memref<1x128xi32, #tpu.memory_space<vmem>> -> memref<128xi32, #tpu.memory_space<vmem>>
          %dma_start3A_78 = arith.constant 0 : i32
          %dma_start3A_79 = arith.constant 0 : i32
          %dma_start3A_80 = tpu.memref_slice %arg11[%dma_start3A_78, %dma_start3A_79] : memref<10112x128xf32, #tpu.memory_space<vmem_shared>> -> memref<10112x128xf32, #tpu.memory_space<vmem_shared>>
          tpu.enqueue_indirect_dma source(%arg10 : memref<128x128xf32, #tpu.memory_space<vmem>>) target(%dma_start3A_80 : memref<10112x128xf32, #tpu.memory_space<vmem_shared>>) offsets(%dma_start3A_77 : memref<128xi32, #tpu.memory_space<vmem>>) semaphore(%run_scoped3A : memref<!tpu.dma_semaphore, #tpu.memory_space<semaphore_mem>>) {add = true}
          %dma_wait3A_81 = arith.constant 0 : i32
          %dma_wait3A_82 = tpu.memref_slice %arg8[%add3A_74, %dma_wait3A_81] : memref<40x128xi32, #tpu.memory_space<vmem>> -> memref<1x128xi32, #tpu.memory_space<vmem>>
          %dma_wait3A_83 = tpu.memref_squeeze %dma_wait3A_82 : memref<1x128xi32, #tpu.memory_space<vmem>> -> memref<128xi32, #tpu.memory_space<vmem>>
          %dma_wait3A_84 = arith.constant 0 : i32
          %dma_wait3A_85 = arith.constant 0 : i32
          %dma_wait3A_86 = tpu.memref_slice %arg11[%dma_wait3A_84, %dma_wait3A_85] : memref<10112x128xf32, #tpu.memory_space<vmem_shared>> -> memref<10112x128xf32, #tpu.memory_space<vmem_shared>>
          tpu.wait_indirect_dma semaphore(%run_scoped3A : memref<!tpu.dma_semaphore, #tpu.memory_space<semaphore_mem>>) src(%arg10 : memref<128x128xf32, #tpu.memory_space<vmem>>) dst(%dma_wait3A_86 : memref<10112x128xf32, #tpu.memory_space<vmem_shared>>)
          tpu.yield
        }) : () -> ()
      }
      %scan3A_42 = arith.constant 20 : i32
    }
    %scan3A_4 = arith.constant 2 : i32
    %barrier3A_5 = arith.constant 0 : index
    tpu.barrier barrier_id(%barrier3A_5)
    %scan3A_6 = arith.constant 0 : i32
    %scan3A_7 = arith.constant 4 : i32
    %scan3A_8 = arith.addi %scan3A_6, %scan3A_7 : i32
    %scan3A_9 = arith.constant 1 : i32
    scf.for %scan3A_18 = %scan3A_6 to %scan3A_8 step %scan3A_9  : i32 {
      %mul3A_19 = arith.constant 1 : i32
      %mul3A_20 = arith.muli %scan3A_18, %mul3A_19 : i32
      %add3A_21 = arith.constant 0 : i32
      %add3A_22 = arith.addi %add3A_21, %mul3A_20 : i32
      %mul3A_23 = arith.constant 128 : i32
      %mul3A_24 = arith.muli %add3A_22, %mul3A_23 : i32
      %add3A_25 = arith.addi %mul3A_0, %mul3A_24 : i32
      "tpu.region"() ({
        %run_scoped3A = tpu.sem_alloc : memref<!tpu.dma_semaphore, #tpu.memory_space<semaphore_mem>>
        %dma_start3A = arith.constant 0 : i32
        %dma_start3A_32 = tpu.memref_slice %arg11[%add3A_25, %dma_start3A] : memref<10112x128xf32, #tpu.memory_space<vmem_shared>> -> memref<128x128xf32, #tpu.memory_space<vmem_shared>>
        %dma_start3A_33 = arith.constant 0 : i32
        %dma_start3A_34 = tpu.memref_slice %arg11[%add3A_25, %dma_start3A_33] : memref<10112x128xf32, #tpu.memory_space<vmem_shared>> -> memref<128x128xf32, #tpu.memory_space<vmem_shared>>
        tpu.enqueue_dma source(%dma_start3A_34 : memref<128x128xf32, #tpu.memory_space<vmem_shared>>) target(%arg9 : memref<128x128xf32, #tpu.memory_space<vmem>>) target_semaphore(%run_scoped3A : memref<!tpu.dma_semaphore, #tpu.memory_space<semaphore_mem>>)
        %dma_wait3A = arith.constant 0 : i32
        %dma_wait3A_35 = tpu.memref_slice %arg11[%add3A_25, %dma_wait3A] : memref<10112x128xf32, #tpu.memory_space<vmem_shared>> -> memref<128x128xf32, #tpu.memory_space<vmem_shared>>
        %dma_wait3A_36 = arith.constant 0 : i32
        %dma_wait3A_37 = tpu.memref_slice %arg11[%add3A_25, %dma_wait3A_36] : memref<10112x128xf32, #tpu.memory_space<vmem_shared>> -> memref<128x128xf32, #tpu.memory_space<vmem_shared>>
        tpu.wait_dma2 semaphore(%run_scoped3A : memref<!tpu.dma_semaphore, #tpu.memory_space<semaphore_mem>>) src(%dma_wait3A_37 : memref<128x128xf32, #tpu.memory_space<vmem_shared>>) dst(%arg9 : memref<128x128xf32, #tpu.memory_space<vmem>>)
        tpu.yield
      }) : () -> ()
      %mul3A_26 = arith.constant 10112 : i32
      %mul3A_27 = arith.muli %arg0, %mul3A_26 : i32
      %add3A_28 = arith.addi %mul3A_27, %mul3A_0 : i32
      %mul3A_29 = arith.constant 128 : i32
      %mul3A_30 = arith.muli %add3A_22, %mul3A_29 : i32
      %add3A_31 = arith.addi %add3A_28, %mul3A_30 : i32
      "tpu.region"() ({
        %run_scoped3A = tpu.sem_alloc : memref<!tpu.dma_semaphore, #tpu.memory_space<semaphore_mem>>
        %dma_start3A = arith.constant 0 : i32
        %dma_start3A_32 = tpu.memref_slice %arg6[%add3A_31, %dma_start3A] : memref<20224x128xf32, #tpu.memory_space<hbm>> -> memref<128x128xf32, #tpu.memory_space<hbm>>
        %dma_start3A_33 = arith.constant 0 : i32
        %dma_start3A_34 = tpu.memref_slice %arg6[%add3A_31, %dma_start3A_33] : memref<20224x128xf32, #tpu.memory_space<hbm>> -> memref<128x128xf32, #tpu.memory_space<hbm>>
        tpu.enqueue_dma source(%arg9 : memref<128x128xf32, #tpu.memory_space<vmem>>) target(%dma_start3A_34 : memref<128x128xf32, #tpu.memory_space<hbm>>) target_semaphore(%run_scoped3A : memref<!tpu.dma_semaphore, #tpu.memory_space<semaphore_mem>>)
        %dma_wait3A = arith.constant 0 : i32
        %dma_wait3A_35 = tpu.memref_slice %arg6[%add3A_31, %dma_wait3A] : memref<20224x128xf32, #tpu.memory_space<hbm>> -> memref<128x128xf32, #tpu.memory_space<hbm>>
        %dma_wait3A_36 = arith.constant 0 : i32
        %dma_wait3A_37 = tpu.memref_slice %arg6[%add3A_31, %dma_wait3A_36] : memref<20224x128xf32, #tpu.memory_space<hbm>> -> memref<128x128xf32, #tpu.memory_space<hbm>>
        tpu.wait_dma2 semaphore(%run_scoped3A : memref<!tpu.dma_semaphore, #tpu.memory_space<semaphore_mem>>) src(%arg9 : memref<128x128xf32, #tpu.memory_space<vmem>>) dst(%dma_wait3A_37 : memref<128x128xf32, #tpu.memory_space<hbm>>)
        tpu.yield
      }) : () -> ()
    }
    %scan3A_10 = arith.constant 4 : i32
    %add3A = arith.constant 512 : i32
    %add3A_11 = arith.addi %mul3A_0, %add3A : i32
    "tpu.region"() ({
      %run_scoped3A = tpu.sem_alloc : memref<!tpu.dma_semaphore, #tpu.memory_space<semaphore_mem>>
      %dma_start3A = arith.constant 0 : i32
      %dma_start3A_18 = arith.constant 0 : i32
      %dma_start3A_19 = tpu.memref_slice %arg9[%dma_start3A, %dma_start3A_18] : memref<128x128xf32, #tpu.memory_space<vmem>> -> memref<120x128xf32, #tpu.memory_space<vmem>>
      %dma_start3A_20 = arith.constant 0 : i32
      %dma_start3A_21 = tpu.memref_slice %arg11[%add3A_11, %dma_start3A_20] : memref<10112x128xf32, #tpu.memory_space<vmem_shared>> -> memref<120x128xf32, #tpu.memory_space<vmem_shared>>
      %dma_start3A_22 = arith.constant 0 : i32
      %dma_start3A_23 = arith.constant 0 : i32
      %dma_start3A_24 = tpu.memref_slice %arg9[%dma_start3A_22, %dma_start3A_23] : memref<128x128xf32, #tpu.memory_space<vmem>> -> memref<120x128xf32, #tpu.memory_space<vmem>>
      %dma_start3A_25 = arith.constant 0 : i32
      %dma_start3A_26 = tpu.memref_slice %arg11[%add3A_11, %dma_start3A_25] : memref<10112x128xf32, #tpu.memory_space<vmem_shared>> -> memref<120x128xf32, #tpu.memory_space<vmem_shared>>
      tpu.enqueue_dma source(%dma_start3A_26 : memref<120x128xf32, #tpu.memory_space<vmem_shared>>) target(%dma_start3A_24 : memref<120x128xf32, #tpu.memory_space<vmem>>) target_semaphore(%run_scoped3A : memref<!tpu.dma_semaphore, #tpu.memory_space<semaphore_mem>>)
      %dma_wait3A = arith.constant 0 : i32
      %dma_wait3A_27 = arith.constant 0 : i32
      %dma_wait3A_28 = tpu.memref_slice %arg9[%dma_wait3A, %dma_wait3A_27] : memref<128x128xf32, #tpu.memory_space<vmem>> -> memref<120x128xf32, #tpu.memory_space<vmem>>
      %dma_wait3A_29 = arith.constant 0 : i32
      %dma_wait3A_30 = tpu.memref_slice %arg11[%add3A_11, %dma_wait3A_29] : memref<10112x128xf32, #tpu.memory_space<vmem_shared>> -> memref<120x128xf32, #tpu.memory_space<vmem_shared>>
      %dma_wait3A_31 = arith.constant 0 : i32
      %dma_wait3A_32 = arith.constant 0 : i32
      %dma_wait3A_33 = tpu.memref_slice %arg9[%dma_wait3A_31, %dma_wait3A_32] : memref<128x128xf32, #tpu.memory_space<vmem>> -> memref<120x128xf32, #tpu.memory_space<vmem>>
      %dma_wait3A_34 = arith.constant 0 : i32
      %dma_wait3A_35 = tpu.memref_slice %arg11[%add3A_11, %dma_wait3A_34] : memref<10112x128xf32, #tpu.memory_space<vmem_shared>> -> memref<120x128xf32, #tpu.memory_space<vmem_shared>>
      tpu.wait_dma2 semaphore(%run_scoped3A : memref<!tpu.dma_semaphore, #tpu.memory_space<semaphore_mem>>) src(%dma_wait3A_35 : memref<120x128xf32, #tpu.memory_space<vmem_shared>>) dst(%dma_wait3A_33 : memref<120x128xf32, #tpu.memory_space<vmem>>)
      tpu.yield
    }) : () -> ()
    %mul3A_12 = arith.constant 10112 : i32
    %mul3A_13 = arith.muli %arg0, %mul3A_12 : i32
    %add3A_14 = arith.addi %mul3A_13, %mul3A_0 : i32
    %add3A_15 = arith.constant 512 : i32
    %add3A_16 = arith.addi %add3A_14, %add3A_15 : i32
    "tpu.region"() ({
      %run_scoped3A = tpu.sem_alloc : memref<!tpu.dma_semaphore, #tpu.memory_space<semaphore_mem>>
      %dma_start3A = arith.constant 0 : i32
      %dma_start3A_18 = arith.constant 0 : i32
      %dma_start3A_19 = tpu.memref_slice %arg9[%dma_start3A, %dma_start3A_18] : memref<128x128xf32, #tpu.memory_space<vmem>> -> memref<120x128xf32, #tpu.memory_space<vmem>>
      %dma_start3A_20 = arith.constant 0 : i32
      %dma_start3A_21 = tpu.memref_slice %arg6[%add3A_16, %dma_start3A_20] : memref<20224x128xf32, #tpu.memory_space<hbm>> -> memref<120x128xf32, #tpu.memory_space<hbm>>
      %dma_start3A_22 = arith.constant 0 : i32
      %dma_start3A_23 = tpu.memref_slice %arg6[%add3A_16, %dma_start3A_22] : memref<20224x128xf32, #tpu.memory_space<hbm>> -> memref<120x128xf32, #tpu.memory_space<hbm>>
      %dma_start3A_24 = arith.constant 0 : i32
      %dma_start3A_25 = arith.constant 0 : i32
      %dma_start3A_26 = tpu.memref_slice %arg9[%dma_start3A_24, %dma_start3A_25] : memref<128x128xf32, #tpu.memory_space<vmem>> -> memref<120x128xf32, #tpu.memory_space<vmem>>
      tpu.enqueue_dma source(%dma_start3A_26 : memref<120x128xf32, #tpu.memory_space<vmem>>) target(%dma_start3A_23 : memref<120x128xf32, #tpu.memory_space<hbm>>) target_semaphore(%run_scoped3A : memref<!tpu.dma_semaphore, #tpu.memory_space<semaphore_mem>>)
      %dma_wait3A = arith.constant 0 : i32
      %dma_wait3A_27 = arith.constant 0 : i32
      %dma_wait3A_28 = tpu.memref_slice %arg9[%dma_wait3A, %dma_wait3A_27] : memref<128x128xf32, #tpu.memory_space<vmem>> -> memref<120x128xf32, #tpu.memory_space<vmem>>
      %dma_wait3A_29 = arith.constant 0 : i32
      %dma_wait3A_30 = tpu.memref_slice %arg6[%add3A_16, %dma_wait3A_29] : memref<20224x128xf32, #tpu.memory_space<hbm>> -> memref<120x128xf32, #tpu.memory_space<hbm>>
      %dma_wait3A_31 = arith.constant 0 : i32
      %dma_wait3A_32 = tpu.memref_slice %arg6[%add3A_16, %dma_wait3A_31] : memref<20224x128xf32, #tpu.memory_space<hbm>> -> memref<120x128xf32, #tpu.memory_space<hbm>>
      %dma_wait3A_33 = arith.constant 0 : i32
      %dma_wait3A_34 = arith.constant 0 : i32
      %dma_wait3A_35 = tpu.memref_slice %arg9[%dma_wait3A_33, %dma_wait3A_34] : memref<128x128xf32, #tpu.memory_space<vmem>> -> memref<120x128xf32, #tpu.memory_space<vmem>>
      tpu.wait_dma2 semaphore(%run_scoped3A : memref<!tpu.dma_semaphore, #tpu.memory_space<semaphore_mem>>) src(%dma_wait3A_35 : memref<120x128xf32, #tpu.memory_space<vmem>>) dst(%dma_wait3A_32 : memref<120x128xf32, #tpu.memory_space<hbm>>)
      tpu.yield
    }) : () -> ()
    %barrier3A_17 = arith.constant 0 : index
    tpu.barrier barrier_id(%barrier3A_17)
    return
  }
}

#map = affine_map<(d0, d1) -> (0, 0)>
#map1 = affine_map<(d0, d1) -> (0, 0, 0)>
module attributes {stable_mosaic.version = 14 : i64} {
  func.func @k(%arg0: i32, %arg1: i32, %arg2: memref<20000x128xf32, #tpu.memory_space<hbm>>, %arg3: memref<64x40x128xi32, #tpu.memory_space<hbm>>, %arg4: memref<32x40x128xi32, #tpu.memory_space<hbm>>, %arg5: memref<632x128xf32, #tpu.memory_space<hbm>>, %arg6: memref<20224x128xf32, #tpu.memory_space<hbm>>, %arg7: memref<40x128xi32, #tpu.memory_space<vmem>>, %arg8: memref<40x128xi32, #tpu.memory_space<vmem>>, %arg9: memref<128x128xf32, #tpu.memory_space<vmem>>, %arg10: memref<128x128xf32, #tpu.memory_space<vmem>>, %arg11: memref<10112x128xf32, #tpu.memory_space<vmem_shared>>, %arg12: memref<!tpu.dma_semaphore, #tpu.memory_space<semaphore_mem>>, %arg13: memref<!tpu.dma_semaphore, #tpu.memory_space<semaphore_mem>>) attributes {dimension_semantics = [#tpu.dimension_semantics<core_parallel>, #tpu.dimension_semantics<subcore_parallel>], iteration_bounds = array<i64: 2, 16>, scalar_prefetch = 0 : i64, scratch_operands = 7 : i64, tpu.core_type = #tpu.core_type<sc_vector_subcore>, window_params = [{transform_indices = #map}, {transform_indices = #map1}, {transform_indices = #map1}, {transform_indices = #map}, {transform_indices = #map}]} {
    %mul3A = arith.constant 632 : i32
    %mul3A_0 = arith.muli %arg1, %mul3A : i32
    "tpu.region"() ({
      %run_scoped3A = tpu.sem_alloc : memref<!tpu.dma_semaphore, #tpu.memory_space<semaphore_mem>>
      %dma_start3A = arith.constant 0 : i32
      %dma_start3A_18 = tpu.memref_slice %arg11[%mul3A_0, %dma_start3A] : memref<10112x128xf32, #tpu.memory_space<vmem_shared>> -> memref<632x128xf32, #tpu.memory_space<vmem_shared>>
      tpu.enqueue_dma source(%arg5 : memref<632x128xf32, #tpu.memory_space<hbm>>) target(%dma_start3A_18 : memref<632x128xf32, #tpu.memory_space<vmem_shared>>) target_semaphore(%run_scoped3A : memref<!tpu.dma_semaphore, #tpu.memory_space<semaphore_mem>>)
      %dma_wait3A = arith.constant 0 : i32
      %dma_wait3A_19 = tpu.memref_slice %arg11[%mul3A_0, %dma_wait3A] : memref<10112x128xf32, #tpu.memory_space<vmem_shared>> -> memref<632x128xf32, #tpu.memory_space<vmem_shared>>
      tpu.wait_dma2 semaphore(%run_scoped3A : memref<!tpu.dma_semaphore, #tpu.memory_space<semaphore_mem>>) src(%arg5 : memref<632x128xf32, #tpu.memory_space<hbm>>) dst(%dma_wait3A_19 : memref<632x128xf32, #tpu.memory_space<vmem_shared>>)
      tpu.yield
    }) : () -> ()
    %barrier3A = arith.constant 0 : index
    tpu.barrier barrier_id(%barrier3A)
    %scan3A = arith.constant 0 : i32
    %scan3A_1 = arith.constant 2 : i32
    %scan3A_2 = arith.addi %scan3A, %scan3A_1 : i32
    %scan3A_3 = arith.constant 1 : i32
    scf.for %scan3A_18 = %scan3A to %scan3A_2 step %scan3A_3  : i32 {
      %mul3A_19 = arith.constant 1 : i32
      %mul3A_20 = arith.muli %scan3A_18, %mul3A_19 : i32
      %add3A_21 = arith.constant 0 : i32
      %add3A_22 = arith.addi %add3A_21, %mul3A_20 : i32
      %mul3A_23 = arith.constant 16 : i32
      %mul3A_24 = arith.muli %arg0, %mul3A_23 : i32
      %add3A_25 = arith.addi %mul3A_24, %arg1 : i32
      %mul3A_26 = arith.constant 2 : i32
      %mul3A_27 = arith.muli %add3A_25, %mul3A_26 : i32
      %add3A_28 = arith.addi %mul3A_27, %add3A_22 : i32
      "tpu.region"() ({
        %run_scoped3A = tpu.sem_alloc : memref<!tpu.dma_semaphore, #tpu.memory_space<semaphore_mem>>
        %dma_start3A_43 = arith.constant 0 : i32
        %dma_start3A_44 = arith.constant 0 : i32
        %dma_start3A_45 = tpu.memref_slice %arg3[%add3A_28, %dma_start3A_43, %dma_start3A_44] : memref<64x40x128xi32, #tpu.memory_space<hbm>> -> memref<1x40x128xi32, #tpu.memory_space<hbm>>
        %dma_start3A_46 = tpu.memref_squeeze %dma_start3A_45 : memref<1x40x128xi32, #tpu.memory_space<hbm>> -> memref<40x128xi32, #tpu.memory_space<hbm>>
        %dma_start3A_47 = arith.constant 0 : i32
        %dma_start3A_48 = arith.constant 0 : i32
        %dma_start3A_49 = tpu.memref_slice %arg3[%add3A_28, %dma_start3A_47, %dma_start3A_48] : memref<64x40x128xi32, #tpu.memory_space<hbm>> -> memref<1x40x128xi32, #tpu.memory_space<hbm>>
        %dma_start3A_50 = tpu.memref_squeeze %dma_start3A_49 : memref<1x40x128xi32, #tpu.memory_space<hbm>> -> memref<40x128xi32, #tpu.memory_space<hbm>>
        tpu.enqueue_dma source(%dma_start3A_50 : memref<40x128xi32, #tpu.memory_space<hbm>>) target(%arg7 : memref<40x128xi32, #tpu.memory_space<vmem>>) target_semaphore(%run_scoped3A : memref<!tpu.dma_semaphore, #tpu.memory_space<semaphore_mem>>)
        %dma_wait3A = arith.constant 0 : i32
        %dma_wait3A_51 = arith.constant 0 : i32
        %dma_wait3A_52 = tpu.memref_slice %arg3[%add3A_28, %dma_wait3A, %dma_wait3A_51] : memref<64x40x128xi32, #tpu.memory_space<hbm>> -> memref<1x40x128xi32, #tpu.memory_space<hbm>>
        %dma_wait3A_53 = tpu.memref_squeeze %dma_wait3A_52 : memref<1x40x128xi32, #tpu.memory_space<hbm>> -> memref<40x128xi32, #tpu.memory_space<hbm>>
        %dma_wait3A_54 = arith.constant 0 : i32
        %dma_wait3A_55 = arith.constant 0 : i32
        %dma_wait3A_56 = tpu.memref_slice %arg3[%add3A_28, %dma_wait3A_54, %dma_wait3A_55] : memref<64x40x128xi32, #tpu.memory_space<hbm>> -> memref<1x40x128xi32, #tpu.memory_space<hbm>>
        %dma_wait3A_57 = tpu.memref_squeeze %dma_wait3A_56 : memref<1x40x128xi32, #tpu.memory_space<hbm>> -> memref<40x128xi32, #tpu.memory_space<hbm>>
        tpu.wait_dma2 semaphore(%run_scoped3A : memref<!tpu.dma_semaphore, #tpu.memory_space<semaphore_mem>>) src(%dma_wait3A_57 : memref<40x128xi32, #tpu.memory_space<hbm>>) dst(%arg7 : memref<40x128xi32, #tpu.memory_space<vmem>>)
        tpu.yield
      }) : () -> ()
      %mul3A_29 = arith.constant 2 : i32
      %mul3A_30 = arith.muli %arg1, %mul3A_29 : i32
      %add3A_31 = arith.addi %mul3A_30, %add3A_22 : i32
      "tpu.region"() ({
        %run_scoped3A = tpu.sem_alloc : memref<!tpu.dma_semaphore, #tpu.memory_space<semaphore_mem>>
        %dma_start3A_43 = arith.constant 0 : i32
        %dma_start3A_44 = arith.constant 0 : i32
        %dma_start3A_45 = tpu.memref_slice %arg4[%add3A_31, %dma_start3A_43, %dma_start3A_44] : memref<32x40x128xi32, #tpu.memory_space<hbm>> -> memref<1x40x128xi32, #tpu.memory_space<hbm>>
        %dma_start3A_46 = tpu.memref_squeeze %dma_start3A_45 : memref<1x40x128xi32, #tpu.memory_space<hbm>> -> memref<40x128xi32, #tpu.memory_space<hbm>>
        %dma_start3A_47 = arith.constant 0 : i32
        %dma_start3A_48 = arith.constant 0 : i32
        %dma_start3A_49 = tpu.memref_slice %arg4[%add3A_31, %dma_start3A_47, %dma_start3A_48] : memref<32x40x128xi32, #tpu.memory_space<hbm>> -> memref<1x40x128xi32, #tpu.memory_space<hbm>>
        %dma_start3A_50 = tpu.memref_squeeze %dma_start3A_49 : memref<1x40x128xi32, #tpu.memory_space<hbm>> -> memref<40x128xi32, #tpu.memory_space<hbm>>
        tpu.enqueue_dma source(%dma_start3A_50 : memref<40x128xi32, #tpu.memory_space<hbm>>) target(%arg8 : memref<40x128xi32, #tpu.memory_space<vmem>>) target_semaphore(%run_scoped3A : memref<!tpu.dma_semaphore, #tpu.memory_space<semaphore_mem>>)
        %dma_wait3A = arith.constant 0 : i32
        %dma_wait3A_51 = arith.constant 0 : i32
        %dma_wait3A_52 = tpu.memref_slice %arg4[%add3A_31, %dma_wait3A, %dma_wait3A_51] : memref<32x40x128xi32, #tpu.memory_space<hbm>> -> memref<1x40x128xi32, #tpu.memory_space<hbm>>
        %dma_wait3A_53 = tpu.memref_squeeze %dma_wait3A_52 : memref<1x40x128xi32, #tpu.memory_space<hbm>> -> memref<40x128xi32, #tpu.memory_space<hbm>>
        %dma_wait3A_54 = arith.constant 0 : i32
        %dma_wait3A_55 = arith.constant 0 : i32
        %dma_wait3A_56 = tpu.memref_slice %arg4[%add3A_31, %dma_wait3A_54, %dma_wait3A_55] : memref<32x40x128xi32, #tpu.memory_space<hbm>> -> memref<1x40x128xi32, #tpu.memory_space<hbm>>
        %dma_wait3A_57 = tpu.memref_squeeze %dma_wait3A_56 : memref<1x40x128xi32, #tpu.memory_space<hbm>> -> memref<40x128xi32, #tpu.memory_space<hbm>>
        tpu.wait_dma2 semaphore(%run_scoped3A : memref<!tpu.dma_semaphore, #tpu.memory_space<semaphore_mem>>) src(%dma_wait3A_57 : memref<40x128xi32, #tpu.memory_space<hbm>>) dst(%arg8 : memref<40x128xi32, #tpu.memory_space<vmem>>)
        tpu.yield
      }) : () -> ()
      %dma_start3A = arith.constant 0 : i32
      %dma_start3A_32 = arith.constant 0 : i32
      %dma_start3A_33 = tpu.memref_slice %arg7[%dma_start3A, %dma_start3A_32] : memref<40x128xi32, #tpu.memory_space<vmem>> -> memref<1x128xi32, #tpu.memory_space<vmem>>
      %dma_start3A_34 = tpu.memref_squeeze %dma_start3A_33 : memref<1x128xi32, #tpu.memory_space<vmem>> -> memref<128xi32, #tpu.memory_space<vmem>>
      %dma_start3A_35 = arith.constant 0 : i32
      %dma_start3A_36 = arith.constant 0 : i32
      %dma_start3A_37 = tpu.memref_slice %arg2[%dma_start3A_35, %dma_start3A_36] : memref<20000x128xf32, #tpu.memory_space<hbm>> -> memref<20000x128xf32, #tpu.memory_space<hbm>>
      tpu.enqueue_indirect_dma source(%dma_start3A_37 : memref<20000x128xf32, #tpu.memory_space<hbm>>) target(%arg9 : memref<128x128xf32, #tpu.memory_space<vmem>>) offsets(%dma_start3A_34 : memref<128xi32, #tpu.memory_space<vmem>>) semaphore(%arg12 : memref<!tpu.dma_semaphore, #tpu.memory_space<semaphore_mem>>)
      %scan3A_38 = arith.constant 0 : i32
      %scan3A_39 = arith.constant 20 : i32
      %scan3A_40 = arith.addi %scan3A_38, %scan3A_39 : i32
      %scan3A_41 = arith.constant 1 : i32
      scf.for %scan3A_43 = %scan3A_38 to %scan3A_40 step %scan3A_41  : i32 {
        %mul3A_44 = arith.constant 2 : i32
        %mul3A_45 = arith.muli %scan3A_43, %mul3A_44 : i32
        %add3A_46 = arith.constant 0 : i32
        %add3A_47 = arith.addi %add3A_46, %mul3A_45 : i32
        %add3A_48 = arith.constant 1 : i32
        %add3A_49 = arith.addi %add3A_47, %add3A_48 : i32
        %dma_start3A_50 = arith.constant 0 : i32
        %dma_start3A_51 = tpu.memref_slice %arg7[%add3A_49, %dma_start3A_50] : memref<40x128xi32, #tpu.memory_space<vmem>> -> memref<1x128xi32, #tpu.memory_space<vmem>>
        %dma_start3A_52 = tpu.memref_squeeze %dma_start3A_51 : memref<1x128xi32, #tpu.memory_space<vmem>> -> memref<128xi32, #tpu.memory_space<vmem>>
        %dma_start3A_53 = arith.constant 0 : i32
        %dma_start3A_54 = arith.constant 0 : i32
        %dma_start3A_55 = tpu.memref_slice %arg2[%dma_start3A_53, %dma_start3A_54] : memref<20000x128xf32, #tpu.memory_space<hbm>> -> memref<20000x128xf32, #tpu.memory_space<hbm>>
        tpu.enqueue_indirect_dma source(%dma_start3A_55 : memref<20000x128xf32, #tpu.memory_space<hbm>>) target(%arg10 : memref<128x128xf32, #tpu.memory_space<vmem>>) offsets(%dma_start3A_52 : memref<128xi32, #tpu.memory_space<vmem>>) semaphore(%arg13 : memref<!tpu.dma_semaphore, #tpu.memory_space<semaphore_mem>>)
        %dma_wait3A = arith.constant 0 : i32
        %dma_wait3A_56 = tpu.memref_slice %arg7[%add3A_47, %dma_wait3A] : memref<40x128xi32, #tpu.memory_space<vmem>> -> memref<1x128xi32, #tpu.memory_space<vmem>>
        %dma_wait3A_57 = tpu.memref_squeeze %dma_wait3A_56 : memref<1x128xi32, #tpu.memory_space<vmem>> -> memref<128xi32, #tpu.memory_space<vmem>>
        %dma_wait3A_58 = arith.constant 0 : i32
        %dma_wait3A_59 = arith.constant 0 : i32
        %dma_wait3A_60 = tpu.memref_slice %arg2[%dma_wait3A_58, %dma_wait3A_59] : memref<20000x128xf32, #tpu.memory_space<hbm>> -> memref<20000x128xf32, #tpu.memory_space<hbm>>
        tpu.wait_indirect_dma semaphore(%arg12 : memref<!tpu.dma_semaphore, #tpu.memory_space<semaphore_mem>>) src(%dma_wait3A_60 : memref<20000x128xf32, #tpu.memory_space<hbm>>) dst(%arg9 : memref<128x128xf32, #tpu.memory_space<vmem>>)
        "tpu.region"() ({
          %run_scoped3A = tpu.sem_alloc : memref<!tpu.dma_semaphore, #tpu.memory_space<semaphore_mem>>
          %dma_start3A_75 = arith.constant 0 : i32
          %dma_start3A_76 = tpu.memref_slice %arg8[%add3A_47, %dma_start3A_75] : memref<40x128xi32, #tpu.memory_space<vmem>> -> memref<1x128xi32, #tpu.memory_space<vmem>>
          %dma_start3A_77 = tpu.memref_squeeze %dma_start3A_76 : memref<1x128xi32, #tpu.memory_space<vmem>> -> memref<128xi32, #tpu.memory_space<vmem>>
          %dma_start3A_78 = arith.constant 0 : i32
          %dma_start3A_79 = arith.constant 0 : i32
          %dma_start3A_80 = tpu.memref_slice %arg11[%dma_start3A_78, %dma_start3A_79] : memref<10112x128xf32, #tpu.memory_space<vmem_shared>> -> memref<10112x128xf32, #tpu.memory_space<vmem_shared>>
          tpu.enqueue_indirect_dma source(%arg9 : memref<128x128xf32, #tpu.memory_space<vmem>>) target(%dma_start3A_80 : memref<10112x128xf32, #tpu.memory_space<vmem_shared>>) offsets(%dma_start3A_77 : memref<128xi32, #tpu.memory_space<vmem>>) semaphore(%run_scoped3A : memref<!tpu.dma_semaphore, #tpu.memory_space<semaphore_mem>>) {add = true}
          %dma_wait3A_81 = arith.constant 0 : i32
          %dma_wait3A_82 = tpu.memref_slice %arg8[%add3A_47, %dma_wait3A_81] : memref<40x128xi32, #tpu.memory_space<vmem>> -> memref<1x128xi32, #tpu.memory_space<vmem>>
          %dma_wait3A_83 = tpu.memref_squeeze %dma_wait3A_82 : memref<1x128xi32, #tpu.memory_space<vmem>> -> memref<128xi32, #tpu.memory_space<vmem>>
          %dma_wait3A_84 = arith.constant 0 : i32
          %dma_wait3A_85 = arith.constant 0 : i32
          %dma_wait3A_86 = tpu.memref_slice %arg11[%dma_wait3A_84, %dma_wait3A_85] : memref<10112x128xf32, #tpu.memory_space<vmem_shared>> -> memref<10112x128xf32, #tpu.memory_space<vmem_shared>>
          tpu.wait_indirect_dma semaphore(%run_scoped3A : memref<!tpu.dma_semaphore, #tpu.memory_space<semaphore_mem>>) src(%arg9 : memref<128x128xf32, #tpu.memory_space<vmem>>) dst(%dma_wait3A_86 : memref<10112x128xf32, #tpu.memory_space<vmem_shared>>)
          tpu.yield
        }) : () -> ()
        %add3A_61 = arith.constant 2 : i32
        %add3A_62 = arith.addi %add3A_47, %add3A_61 : i32
        %lt3A = arith.constant 40 : i32
        %lt3A_63 = arith.cmpi slt, %add3A_62, %lt3A : i32
        %convert_element_type3A = arith.extui %lt3A_63 : i1 to i32
        %cond3A = arith.constant 0 : i32
        %cond3A_64 = arith.cmpi ne, %convert_element_type3A, %cond3A : i32
        scf.if %cond3A_64 {
          %add3A_75 = arith.constant 2 : i32
          %add3A_76 = arith.addi %add3A_47, %add3A_75 : i32
          %dma_start3A_77 = arith.constant 0 : i32
          %dma_start3A_78 = tpu.memref_slice %arg7[%add3A_76, %dma_start3A_77] : memref<40x128xi32, #tpu.memory_space<vmem>> -> memref<1x128xi32, #tpu.memory_space<vmem>>
          %dma_start3A_79 = tpu.memref_squeeze %dma_start3A_78 : memref<1x128xi32, #tpu.memory_space<vmem>> -> memref<128xi32, #tpu.memory_space<vmem>>
          %dma_start3A_80 = arith.constant 0 : i32
          %dma_start3A_81 = arith.constant 0 : i32
          %dma_start3A_82 = tpu.memref_slice %arg2[%dma_start3A_80, %dma_start3A_81] : memref<20000x128xf32, #tpu.memory_space<hbm>> -> memref<20000x128xf32, #tpu.memory_space<hbm>>
          tpu.enqueue_indirect_dma source(%dma_start3A_82 : memref<20000x128xf32, #tpu.memory_space<hbm>>) target(%arg9 : memref<128x128xf32, #tpu.memory_space<vmem>>) offsets(%dma_start3A_79 : memref<128xi32, #tpu.memory_space<vmem>>) semaphore(%arg12 : memref<!tpu.dma_semaphore, #tpu.memory_space<semaphore_mem>>)
        } else {
        }
        %add3A_65 = arith.constant 1 : i32
        %add3A_66 = arith.addi %add3A_47, %add3A_65 : i32
        %dma_wait3A_67 = arith.constant 0 : i32
        %dma_wait3A_68 = tpu.memref_slice %arg7[%add3A_66, %dma_wait3A_67] : memref<40x128xi32, #tpu.memory_space<vmem>> -> memref<1x128xi32, #tpu.memory_space<vmem>>
        %dma_wait3A_69 = tpu.memref_squeeze %dma_wait3A_68 : memref<1x128xi32, #tpu.memory_space<vmem>> -> memref<128xi32, #tpu.memory_space<vmem>>
        %dma_wait3A_70 = arith.constant 0 : i32
        %dma_wait3A_71 = arith.constant 0 : i32
        %dma_wait3A_72 = tpu.memref_slice %arg2[%dma_wait3A_70, %dma_wait3A_71] : memref<20000x128xf32, #tpu.memory_space<hbm>> -> memref<20000x128xf32, #tpu.memory_space<hbm>>
        tpu.wait_indirect_dma semaphore(%arg13 : memref<!tpu.dma_semaphore, #tpu.memory_space<semaphore_mem>>) src(%dma_wait3A_72 : memref<20000x128xf32, #tpu.memory_space<hbm>>) dst(%arg10 : memref<128x128xf32, #tpu.memory_space<vmem>>)
        %add3A_73 = arith.constant 1 : i32
        %add3A_74 = arith.addi %add3A_47, %add3A_73 : i32
        "tpu.region"() ({
          %run_scoped3A = tpu.sem_alloc : memref<!tpu.dma_semaphore, #tpu.memory_space<semaphore_mem>>
          %dma_start3A_75 = arith.constant 0 : i32
          %dma_start3A_76 = tpu.memref_slice %arg8[%add3A_74, %dma_start3A_75] : memref<40x128xi32, #tpu.memory_space<vmem>> -> memref<1x128xi32, #tpu.memory_space<vmem>>
          %dma_start3A_77 = tpu.memref_squeeze %dma_start3A_76 : memref<1x128xi32, #tpu.memory_space<vmem>> -> memref<128xi32, #tpu.memory_space<vmem>>
          %dma_start3A_78 = arith.constant 0 : i32
          %dma_start3A_79 = arith.constant 0 : i32
          %dma_start3A_80 = tpu.memref_slice %arg11[%dma_start3A_78, %dma_start3A_79] : memref<10112x128xf32, #tpu.memory_space<vmem_shared>> -> memref<10112x128xf32, #tpu.memory_space<vmem_shared>>
          tpu.enqueue_indirect_dma source(%arg10 : memref<128x128xf32, #tpu.memory_space<vmem>>) target(%dma_start3A_80 : memref<10112x128xf32, #tpu.memory_space<vmem_shared>>) offsets(%dma_start3A_77 : memref<128xi32, #tpu.memory_space<vmem>>) semaphore(%run_scoped3A : memref<!tpu.dma_semaphore, #tpu.memory_space<semaphore_mem>>) {add = true}
          %dma_wait3A_81 = arith.constant 0 : i32
          %dma_wait3A_82 = tpu.memref_slice %arg8[%add3A_74, %dma_wait3A_81] : memref<40x128xi32, #tpu.memory_space<vmem>> -> memref<1x128xi32, #tpu.memory_space<vmem>>
          %dma_wait3A_83 = tpu.memref_squeeze %dma_wait3A_82 : memref<1x128xi32, #tpu.memory_space<vmem>> -> memref<128xi32, #tpu.memory_space<vmem>>
          %dma_wait3A_84 = arith.constant 0 : i32
          %dma_wait3A_85 = arith.constant 0 : i32
          %dma_wait3A_86 = tpu.memref_slice %arg11[%dma_wait3A_84, %dma_wait3A_85] : memref<10112x128xf32, #tpu.memory_space<vmem_shared>> -> memref<10112x128xf32, #tpu.memory_space<vmem_shared>>
          tpu.wait_indirect_dma semaphore(%run_scoped3A : memref<!tpu.dma_semaphore, #tpu.memory_space<semaphore_mem>>) src(%arg10 : memref<128x128xf32, #tpu.memory_space<vmem>>) dst(%dma_wait3A_86 : memref<10112x128xf32, #tpu.memory_space<vmem_shared>>)
          tpu.yield
        }) : () -> ()
      }
      %scan3A_42 = arith.constant 20 : i32
    }
    %scan3A_4 = arith.constant 2 : i32
    %barrier3A_5 = arith.constant 0 : index
    tpu.barrier barrier_id(%barrier3A_5)
    %scan3A_6 = arith.constant 0 : i32
    %scan3A_7 = arith.constant 4 : i32
    %scan3A_8 = arith.addi %scan3A_6, %scan3A_7 : i32
    %scan3A_9 = arith.constant 1 : i32
    scf.for %scan3A_18 = %scan3A_6 to %scan3A_8 step %scan3A_9  : i32 {
      %mul3A_19 = arith.constant 1 : i32
      %mul3A_20 = arith.muli %scan3A_18, %mul3A_19 : i32
      %add3A_21 = arith.constant 0 : i32
      %add3A_22 = arith.addi %add3A_21, %mul3A_20 : i32
      %mul3A_23 = arith.constant 128 : i32
      %mul3A_24 = arith.muli %add3A_22, %mul3A_23 : i32
      %add3A_25 = arith.addi %mul3A_0, %mul3A_24 : i32
      "tpu.region"() ({
        %run_scoped3A = tpu.sem_alloc : memref<!tpu.dma_semaphore, #tpu.memory_space<semaphore_mem>>
        %dma_start3A = arith.constant 0 : i32
        %dma_start3A_32 = tpu.memref_slice %arg11[%add3A_25, %dma_start3A] : memref<10112x128xf32, #tpu.memory_space<vmem_shared>> -> memref<128x128xf32, #tpu.memory_space<vmem_shared>>
        %dma_start3A_33 = arith.constant 0 : i32
        %dma_start3A_34 = tpu.memref_slice %arg11[%add3A_25, %dma_start3A_33] : memref<10112x128xf32, #tpu.memory_space<vmem_shared>> -> memref<128x128xf32, #tpu.memory_space<vmem_shared>>
        tpu.enqueue_dma source(%dma_start3A_34 : memref<128x128xf32, #tpu.memory_space<vmem_shared>>) target(%arg9 : memref<128x128xf32, #tpu.memory_space<vmem>>) target_semaphore(%run_scoped3A : memref<!tpu.dma_semaphore, #tpu.memory_space<semaphore_mem>>)
        %dma_wait3A = arith.constant 0 : i32
        %dma_wait3A_35 = tpu.memref_slice %arg11[%add3A_25, %dma_wait3A] : memref<10112x128xf32, #tpu.memory_space<vmem_shared>> -> memref<128x128xf32, #tpu.memory_space<vmem_shared>>
        %dma_wait3A_36 = arith.constant 0 : i32
        %dma_wait3A_37 = tpu.memref_slice %arg11[%add3A_25, %dma_wait3A_36] : memref<10112x128xf32, #tpu.memory_space<vmem_shared>> -> memref<128x128xf32, #tpu.memory_space<vmem_shared>>
        tpu.wait_dma2 semaphore(%run_scoped3A : memref<!tpu.dma_semaphore, #tpu.memory_space<semaphore_mem>>) src(%dma_wait3A_37 : memref<128x128xf32, #tpu.memory_space<vmem_shared>>) dst(%arg9 : memref<128x128xf32, #tpu.memory_space<vmem>>)
        tpu.yield
      }) : () -> ()
      %mul3A_26 = arith.constant 10112 : i32
      %mul3A_27 = arith.muli %arg0, %mul3A_26 : i32
      %add3A_28 = arith.addi %mul3A_27, %mul3A_0 : i32
      %mul3A_29 = arith.constant 128 : i32
      %mul3A_30 = arith.muli %add3A_22, %mul3A_29 : i32
      %add3A_31 = arith.addi %add3A_28, %mul3A_30 : i32
      "tpu.region"() ({
        %run_scoped3A = tpu.sem_alloc : memref<!tpu.dma_semaphore, #tpu.memory_space<semaphore_mem>>
        %dma_start3A = arith.constant 0 : i32
        %dma_start3A_32 = tpu.memref_slice %arg6[%add3A_31, %dma_start3A] : memref<20224x128xf32, #tpu.memory_space<hbm>> -> memref<128x128xf32, #tpu.memory_space<hbm>>
        %dma_start3A_33 = arith.constant 0 : i32
        %dma_start3A_34 = tpu.memref_slice %arg6[%add3A_31, %dma_start3A_33] : memref<20224x128xf32, #tpu.memory_space<hbm>> -> memref<128x128xf32, #tpu.memory_space<hbm>>
        tpu.enqueue_dma source(%arg9 : memref<128x128xf32, #tpu.memory_space<vmem>>) target(%dma_start3A_34 : memref<128x128xf32, #tpu.memory_space<hbm>>) target_semaphore(%run_scoped3A : memref<!tpu.dma_semaphore, #tpu.memory_space<semaphore_mem>>)
        %dma_wait3A = arith.constant 0 : i32
        %dma_wait3A_35 = tpu.memref_slice %arg6[%add3A_31, %dma_wait3A] : memref<20224x128xf32, #tpu.memory_space<hbm>> -> memref<128x128xf32, #tpu.memory_space<hbm>>
        %dma_wait3A_36 = arith.constant 0 : i32
        %dma_wait3A_37 = tpu.memref_slice %arg6[%add3A_31, %dma_wait3A_36] : memref<20224x128xf32, #tpu.memory_space<hbm>> -> memref<128x128xf32, #tpu.memory_space<hbm>>
        tpu.wait_dma2 semaphore(%run_scoped3A : memref<!tpu.dma_semaphore, #tpu.memory_space<semaphore_mem>>) src(%arg9 : memref<128x128xf32, #tpu.memory_space<vmem>>) dst(%dma_wait3A_37 : memref<128x128xf32, #tpu.memory_space<hbm>>)
        tpu.yield
      }) : () -> ()
    }
    %scan3A_10 = arith.constant 4 : i32
    %add3A = arith.constant 512 : i32
    %add3A_11 = arith.addi %mul3A_0, %add3A : i32
    "tpu.region"() ({
      %run_scoped3A = tpu.sem_alloc : memref<!tpu.dma_semaphore, #tpu.memory_space<semaphore_mem>>
      %dma_start3A = arith.constant 0 : i32
      %dma_start3A_18 = arith.constant 0 : i32
      %dma_start3A_19 = tpu.memref_slice %arg9[%dma_start3A, %dma_start3A_18] : memref<128x128xf32, #tpu.memory_space<vmem>> -> memref<120x128xf32, #tpu.memory_space<vmem>>
      %dma_start3A_20 = arith.constant 0 : i32
      %dma_start3A_21 = tpu.memref_slice %arg11[%add3A_11, %dma_start3A_20] : memref<10112x128xf32, #tpu.memory_space<vmem_shared>> -> memref<120x128xf32, #tpu.memory_space<vmem_shared>>
      %dma_start3A_22 = arith.constant 0 : i32
      %dma_start3A_23 = arith.constant 0 : i32
      %dma_start3A_24 = tpu.memref_slice %arg9[%dma_start3A_22, %dma_start3A_23] : memref<128x128xf32, #tpu.memory_space<vmem>> -> memref<120x128xf32, #tpu.memory_space<vmem>>
      %dma_start3A_25 = arith.constant 0 : i32
      %dma_start3A_26 = tpu.memref_slice %arg11[%add3A_11, %dma_start3A_25] : memref<10112x128xf32, #tpu.memory_space<vmem_shared>> -> memref<120x128xf32, #tpu.memory_space<vmem_shared>>
      tpu.enqueue_dma source(%dma_start3A_26 : memref<120x128xf32, #tpu.memory_space<vmem_shared>>) target(%dma_start3A_24 : memref<120x128xf32, #tpu.memory_space<vmem>>) target_semaphore(%run_scoped3A : memref<!tpu.dma_semaphore, #tpu.memory_space<semaphore_mem>>)
      %dma_wait3A = arith.constant 0 : i32
      %dma_wait3A_27 = arith.constant 0 : i32
      %dma_wait3A_28 = tpu.memref_slice %arg9[%dma_wait3A, %dma_wait3A_27] : memref<128x128xf32, #tpu.memory_space<vmem>> -> memref<120x128xf32, #tpu.memory_space<vmem>>
      %dma_wait3A_29 = arith.constant 0 : i32
      %dma_wait3A_30 = tpu.memref_slice %arg11[%add3A_11, %dma_wait3A_29] : memref<10112x128xf32, #tpu.memory_space<vmem_shared>> -> memref<120x128xf32, #tpu.memory_space<vmem_shared>>
      %dma_wait3A_31 = arith.constant 0 : i32
      %dma_wait3A_32 = arith.constant 0 : i32
      %dma_wait3A_33 = tpu.memref_slice %arg9[%dma_wait3A_31, %dma_wait3A_32] : memref<128x128xf32, #tpu.memory_space<vmem>> -> memref<120x128xf32, #tpu.memory_space<vmem>>
      %dma_wait3A_34 = arith.constant 0 : i32
      %dma_wait3A_35 = tpu.memref_slice %arg11[%add3A_11, %dma_wait3A_34] : memref<10112x128xf32, #tpu.memory_space<vmem_shared>> -> memref<120x128xf32, #tpu.memory_space<vmem_shared>>
      tpu.wait_dma2 semaphore(%run_scoped3A : memref<!tpu.dma_semaphore, #tpu.memory_space<semaphore_mem>>) src(%dma_wait3A_35 : memref<120x128xf32, #tpu.memory_space<vmem_shared>>) dst(%dma_wait3A_33 : memref<120x128xf32, #tpu.memory_space<vmem>>)
      tpu.yield
    }) : () -> ()
    %mul3A_12 = arith.constant 10112 : i32
    %mul3A_13 = arith.muli %arg0, %mul3A_12 : i32
    %add3A_14 = arith.addi %mul3A_13, %mul3A_0 : i32
    %add3A_15 = arith.constant 512 : i32
    %add3A_16 = arith.addi %add3A_14, %add3A_15 : i32
    "tpu.region"() ({
      %run_scoped3A = tpu.sem_alloc : memref<!tpu.dma_semaphore, #tpu.memory_space<semaphore_mem>>
      %dma_start3A = arith.constant 0 : i32
      %dma_start3A_18 = arith.constant 0 : i32
      %dma_start3A_19 = tpu.memref_slice %arg9[%dma_start3A, %dma_start3A_18] : memref<128x128xf32, #tpu.memory_space<vmem>> -> memref<120x128xf32, #tpu.memory_space<vmem>>
      %dma_start3A_20 = arith.constant 0 : i32
      %dma_start3A_21 = tpu.memref_slice %arg6[%add3A_16, %dma_start3A_20] : memref<20224x128xf32, #tpu.memory_space<hbm>> -> memref<120x128xf32, #tpu.memory_space<hbm>>
      %dma_start3A_22 = arith.constant 0 : i32
      %dma_start3A_23 = tpu.memref_slice %arg6[%add3A_16, %dma_start3A_22] : memref<20224x128xf32, #tpu.memory_space<hbm>> -> memref<120x128xf32, #tpu.memory_space<hbm>>
      %dma_start3A_24 = arith.constant 0 : i32
      %dma_start3A_25 = arith.constant 0 : i32
      %dma_start3A_26 = tpu.memref_slice %arg9[%dma_start3A_24, %dma_start3A_25] : memref<128x128xf32, #tpu.memory_space<vmem>> -> memref<120x128xf32, #tpu.memory_space<vmem>>
      tpu.enqueue_dma source(%dma_start3A_26 : memref<120x128xf32, #tpu.memory_space<vmem>>) target(%dma_start3A_23 : memref<120x128xf32, #tpu.memory_space<hbm>>) target_semaphore(%run_scoped3A : memref<!tpu.dma_semaphore, #tpu.memory_space<semaphore_mem>>)
      %dma_wait3A = arith.constant 0 : i32
      %dma_wait3A_27 = arith.constant 0 : i32
      %dma_wait3A_28 = tpu.memref_slice %arg9[%dma_wait3A, %dma_wait3A_27] : memref<128x128xf32, #tpu.memory_space<vmem>> -> memref<120x128xf32, #tpu.memory_space<vmem>>
      %dma_wait3A_29 = arith.constant 0 : i32
      %dma_wait3A_30 = tpu.memref_slice %arg6[%add3A_16, %dma_wait3A_29] : memref<20224x128xf32, #tpu.memory_space<hbm>> -> memref<120x128xf32, #tpu.memory_space<hbm>>
      %dma_wait3A_31 = arith.constant 0 : i32
      %dma_wait3A_32 = tpu.memref_slice %arg6[%add3A_16, %dma_wait3A_31] : memref<20224x128xf32, #tpu.memory_space<hbm>> -> memref<120x128xf32, #tpu.memory_space<hbm>>
      %dma_wait3A_33 = arith.constant 0 : i32
      %dma_wait3A_34 = arith.constant 0 : i32
      %dma_wait3A_35 = tpu.memref_slice %arg9[%dma_wait3A_33, %dma_wait3A_34] : memref<128x128xf32, #tpu.memory_space<vmem>> -> memref<120x128xf32, #tpu.memory_space<vmem>>
      tpu.wait_dma2 semaphore(%run_scoped3A : memref<!tpu.dma_semaphore, #tpu.memory_space<semaphore_mem>>) src(%dma_wait3A_35 : memref<120x128xf32, #tpu.memory_space<vmem>>) dst(%dma_wait3A_32 : memref<120x128xf32, #tpu.memory_space<hbm>>)
      tpu.yield
    }) : () -> ()
    %barrier3A_17 = arith.constant 0 : index
    tpu.barrier barrier_id(%barrier3A_17)
    return
  }
}

module attributes {stable_mosaic.version = 14 : i64} {
  func.func @_deg_body(%arg0: i32, %arg1: memref<1024x1xi32, #tpu.memory_space<vmem>>, %arg2: memref<128x80xf32, #tpu.memory_space<vmem>>) attributes {dimension_semantics = [#tpu.dimension_semantics<arbitrary>], iteration_bounds = array<i64: 160>, scalar_prefetch = 0 : i64, scratch_operands = 0 : i64, tpu.core_type = #tpu.core_type<tc>, window_params = [{transform_indices = @transform_0, window_bounds = array<i64: 1024, 1>}, {pipeline_mode = #tpu.pipeline_mode<synchronous>, transform_indices = @transform_1, window_bounds = array<i64: 128, 80>}]} {
    %eq3A = arith.constant 0 : i32
    %eq3A_0 = arith.cmpi eq, %arg0, %eq3A : i32
    %convert_element_type3A = arith.extui %eq3A_0 : i1 to i32
    %cond3A = arith.constant 0 : i32
    %cond3A_1 = arith.cmpi ne, %convert_element_type3A, %cond3A : i32
    scf.if %cond3A_1 {
      %broadcast_in_dim3A = arith.constant 0.000000e+00 : f32
      %broadcast_in_dim3A_63 = vector.broadcast %broadcast_in_dim3A : f32 to vector<128x80xf32>
      %swap3A_64 = arith.constant 0 : index
      %swap3A_65 = arith.constant 0 : index
      %swap3A_66 = vector.load %arg2[%swap3A_64, %swap3A_65] : memref<128x80xf32, #tpu.memory_space<vmem>>, vector<128x80xf32>
      tpu.vector_store %arg2[%swap3A_64, %swap3A_65], %broadcast_in_dim3A_63 {strides = array<i32>} : memref<128x80xf32, #tpu.memory_space<vmem>>, vector<128x80xf32>,
    } else {
    }
    %get3A = arith.constant 0 : index
    %get3A_2 = arith.constant 0 : index
    %get3A_3 = vector.load %arg1[%get3A, %get3A_2] : memref<1024x1xi32, #tpu.memory_space<vmem>>, vector<1024x1xi32>
    %jit3A = arith.constant 128 : i32
    %eq3A_4 = arith.constant 0 : i32
    %eq3A_5 = arith.cmpi eq, %jit3A, %eq3A_4 : i32
    %jit3A_6 = arith.constant 1 : i32
    %select_n3A = arith.select %eq3A_5, %jit3A_6, %jit3A : i32
    %rem3A = vector.broadcast %select_n3A : i32 to vector<1024x1xi32>
    %rem3A_7 = arith.remsi %get3A_3, %rem3A : vector<1024x1xi32>
    %ne3A = arith.constant 0 : i32
    %ne3A_8 = vector.broadcast %ne3A : i32 to vector<1024x1xi32>
    %ne3A_9 = arith.cmpi ne, %rem3A_7, %ne3A_8 : vector<1024x1xi32>
    %lt3A = arith.constant 0 : i32
    %lt3A_10 = vector.broadcast %lt3A : i32 to vector<1024x1xi32>
    %lt3A_11 = arith.cmpi slt, %rem3A_7, %lt3A_10 : vector<1024x1xi32>
    %lt3A_12 = arith.constant 0 : i32
    %lt3A_13 = arith.cmpi slt, %select_n3A, %lt3A_12 : i32
    %ne3A_14 = vector.broadcast %lt3A_13 : i1 to vector<1024x1xi1>
    %ne3A_15 = vector.broadcast %ne3A_14 : vector<1024x1xi1> to vector<1024x1xi1>
    %ne3A_16 = arith.xori %lt3A_11, %ne3A_15 : vector<1024x1xi1>
    %and3A = arith.andi %ne3A_16, %ne3A_9 : vector<1024x1xi1>
    %add3A = vector.broadcast %select_n3A : i32 to vector<1024x1xi32>
    %add3A_17 = arith.addi %rem3A_7, %add3A : vector<1024x1xi32>
    %select_n3A_18 = arith.select %and3A, %add3A_17, %rem3A_7 : vector<1024x1xi1>, vector<1024x1xi32>
    %jit3A_19 = arith.constant 128 : i32
    %div3A = vector.broadcast %jit3A_19 : i32 to vector<1024x1xi32>
    %div3A_20 = arith.divsi %get3A_3, %div3A : vector<1024x1xi32>
    %sign3A = arith.constant 0 : i32
    %sign3A_21 = vector.broadcast %sign3A : i32 to vector<1024x1xi32>
    %sign3A_22 = arith.cmpi sgt, %get3A_3, %sign3A_21 : vector<1024x1xi32>
    %sign3A_23 = arith.extui %sign3A_22 : vector<1024x1xi1> to vector<1024x1xi32>
    %sign3A_24 = arith.constant 0 : i32
    %sign3A_25 = vector.broadcast %sign3A_24 : i32 to vector<1024x1xi32>
    %sign3A_26 = arith.cmpi slt, %get3A_3, %sign3A_25 : vector<1024x1xi32>
    %sign3A_27 = arith.extui %sign3A_26 : vector<1024x1xi1> to vector<1024x1xi32>
    %sign3A_28 = arith.subi %sign3A_23, %sign3A_27 : vector<1024x1xi32>
    %sign3A_29 = arith.constant 0 : i32
    %sign3A_30 = arith.cmpi sgt, %jit3A_19, %sign3A_29 : i32
    %sign3A_31 = arith.extui %sign3A_30 : i1 to i32
    %sign3A_32 = arith.constant 0 : i32
    %sign3A_33 = arith.cmpi slt, %jit3A_19, %sign3A_32 : i32
    %sign3A_34 = arith.extui %sign3A_33 : i1 to i32
    %sign3A_35 = arith.subi %sign3A_31, %sign3A_34 : i32
    %ne3A_36 = vector.broadcast %sign3A_35 : i32 to vector<1024x1xi32>
    %ne3A_37 = arith.cmpi ne, %sign3A_28, %ne3A_36 : vector<1024x1xi32>
    %rem3A_38 = vector.broadcast %jit3A_19 : i32 to vector<1024x1xi32>
    %rem3A_39 = arith.remsi %get3A_3, %rem3A_38 : vector<1024x1xi32>
    %ne3A_40 = arith.constant 0 : i32
    %ne3A_41 = vector.broadcast %ne3A_40 : i32 to vector<1024x1xi32>
    %ne3A_42 = arith.cmpi ne, %rem3A_39, %ne3A_41 : vector<1024x1xi32>
    %and3A_43 = arith.andi %ne3A_37, %ne3A_42 : vector<1024x1xi1>
    %sub3A = arith.constant 1 : i32
    %sub3A_44 = vector.broadcast %sub3A : i32 to vector<1024x1xi32>
    %sub3A_45 = arith.subi %div3A_20, %sub3A_44 : vector<1024x1xi32>
    %select_n3A_46 = arith.select %and3A_43, %sub3A_45, %div3A_20 : vector<1024x1xi1>, vector<1024x1xi32>
    %iota3A = tpu.iota {dimensions = array<i32: 1>} : vector<1024x128xi32>
    %eq3A_47 = vector.broadcast %select_n3A_18 : vector<1024x1xi32> to vector<1024x128xi32>
    %eq3A_48 = arith.cmpi eq, %eq3A_47, %iota3A : vector<1024x128xi32>
    %convert_element_type3A_49 = arith.extui %eq3A_48 : vector<1024x128xi1> to vector<1024x128xi32>
    %convert_element_type3A_50 = arith.sitofp %convert_element_type3A_49 : vector<1024x128xi32> to vector<1024x128xf32>
    %iota3A_51 = tpu.iota {dimensions = array<i32: 1>} : vector<1024x80xi32>
    %eq3A_52 = vector.broadcast %select_n3A_46 : vector<1024x1xi32> to vector<1024x80xi32>
    %eq3A_53 = arith.cmpi eq, %eq3A_52, %iota3A_51 : vector<1024x80xi32>
    %convert_element_type3A_54 = arith.extui %eq3A_53 : vector<1024x80xi1> to vector<1024x80xi32>
    %convert_element_type3A_55 = arith.sitofp %convert_element_type3A_54 : vector<1024x80xi32> to vector<1024x80xf32>
    %get3A_56 = arith.constant 0 : index
    %get3A_57 = arith.constant 0 : index
    %get3A_58 = vector.load %arg2[%get3A_56, %get3A_57] : memref<128x80xf32, #tpu.memory_space<vmem>>, vector<128x80xf32>
    %dot_general3A = arith.constant dense<0.000000e+00> : vector<128x80xf32>
    %dot_general3A_59 = tpu.matmul %convert_element_type3A_50, %convert_element_type3A_55, %dot_general3A {dimension_numbers = #tpu.dot_dimension_numbers<[0], [0], [1], [1], [0, 1, 1, 1], [], []>, transpose_lhs_hint = false} : vector<1024x128xf32>, vector<1024x80xf32>, vector<128x80xf32> -> vector<128x80xf32>
    %add3A_60 = arith.addf %get3A_58, %dot_general3A_59 : vector<128x80xf32>
    %swap3A = arith.constant 0 : index
    %swap3A_61 = arith.constant 0 : index
    %swap3A_62 = vector.load %arg2[%swap3A, %swap3A_61] : memref<128x80xf32, #tpu.memory_space<vmem>>, vector<128x80xf32>
    tpu.vector_store %arg2[%swap3A, %swap3A_61], %add3A_60 {strides = array<i32>} : memref<128x80xf32, #tpu.memory_space<vmem>>, vector<128x80xf32>,
    return
  }
  func.func @transform_0(%arg0: i32) -> (i32, i32) {
    %c0_i32 = arith.constant 0 : i32
    %c0_i32_0 = arith.constant 0 : i32
    return %arg0, %c0_i32 : i32, i32
  }
  func.func @transform_1(%arg0: i32) -> (i32, i32) {
    %c0_i32 = arith.constant 0 : i32
    %c0_i32_0 = arith.constant 0 : i32
    %c0_i32_1 = arith.constant 0 : i32
    return %c0_i32, %c0_i32_0 : i32, i32
  }
}

module attributes {stable_mosaic.version = 14 : i64} {
  func.func @_mm1_body(%arg0: i32, %arg1: memref<1000x256xf32, #tpu.memory_space<vmem>>, %arg2: memref<256x256xf32, #tpu.memory_space<vmem>>, %arg3: memref<1000x256xf32, #tpu.memory_space<vmem>>) attributes {dimension_semantics = [#tpu.dimension_semantics<arbitrary>], iteration_bounds = array<i64: 10>, scalar_prefetch = 0 : i64, scratch_operands = 0 : i64, tpu.core_type = #tpu.core_type<tc>, window_params = [{transform_indices = @transform_0, window_bounds = array<i64: 1000, 256>}, {pipeline_mode = #tpu.pipeline_mode<synchronous>, transform_indices = @transform_1, window_bounds = array<i64: 256, 256>}, {transform_indices = @transform_2, window_bounds = array<i64: 1000, 256>}]} {
    %get3A = arith.constant 0 : index
    %get3A_0 = arith.constant 0 : index
    %get3A_1 = vector.load %arg1[%get3A, %get3A_0] : memref<1000x256xf32, #tpu.memory_space<vmem>>, vector<1000x256xf32>
    %get3A_2 = arith.constant 0 : index
    %get3A_3 = arith.constant 0 : index
    %get3A_4 = vector.load %arg2[%get3A_2, %get3A_3] : memref<256x256xf32, #tpu.memory_space<vmem>>, vector<256x256xf32>
    %dot_general3A = arith.constant dense<0.000000e+00> : vector<1000x256xf32>
    %dot_general3A_5 = tpu.matmul %get3A_1, %get3A_4, %dot_general3A {dimension_numbers = #tpu.dot_dimension_numbers<[1], [0], [0], [1], [0, 0, 1, 1], [], []>, transpose_lhs_hint = false} : vector<1000x256xf32>, vector<256x256xf32>, vector<1000x256xf32> -> vector<1000x256xf32>
    %swap3A = arith.constant 0 : index
    %swap3A_6 = arith.constant 0 : index
    %swap3A_7 = vector.load %arg3[%swap3A, %swap3A_6] : memref<1000x256xf32, #tpu.memory_space<vmem>>, vector<1000x256xf32>
    tpu.vector_store %arg3[%swap3A, %swap3A_6], %dot_general3A_5 {strides = array<i32>} : memref<1000x256xf32, #tpu.memory_space<vmem>>, vector<1000x256xf32>,
    return
  }
  func.func @transform_0(%arg0: i32) -> (i32, i32) {
    %c0_i32 = arith.constant 0 : i32
    %c0_i32_0 = arith.constant 0 : i32
    return %arg0, %c0_i32 : i32, i32
  }
  func.func @transform_1(%arg0: i32) -> (i32, i32) {
    %c0_i32 = arith.constant 0 : i32
    %c0_i32_0 = arith.constant 0 : i32
    %c0_i32_1 = arith.constant 0 : i32
    return %c0_i32, %c0_i32_0 : i32, i32
  }
  func.func @transform_2(%arg0: i32) -> (i32, i32) {
    %c0_i32 = arith.constant 0 : i32
    %c0_i32_0 = arith.constant 0 : i32
    return %arg0, %c0_i32 : i32, i32
  }
}

module attributes {stable_mosaic.version = 14 : i64} {
  func.func @_scale_body(%arg0: i32, %arg1: i32, %arg2: memref<1000x128xf32, #tpu.memory_space<vmem>>, %arg3: memref<1000x1xf32, #tpu.memory_space<vmem>>, %arg4: memref<1x1000x128xf32, #tpu.memory_space<vmem>>) attributes {dimension_semantics = [#tpu.dimension_semantics<arbitrary>, #tpu.dimension_semantics<arbitrary>], iteration_bounds = array<i64: 10, 2>, scalar_prefetch = 0 : i64, scratch_operands = 0 : i64, tpu.core_type = #tpu.core_type<tc>, window_params = [{transform_indices = @transform_0, window_bounds = array<i64: 1000, 128>}, {transform_indices = @transform_1, window_bounds = array<i64: 1000, 1>}, {transform_indices = @transform_2, window_bounds = array<i64: 1, 1000, 128>}]} {
    %get3A = arith.constant 0 : index
    %get3A_0 = arith.constant 0 : index
    %get3A_1 = vector.load %arg2[%get3A, %get3A_0] : memref<1000x128xf32, #tpu.memory_space<vmem>>, vector<1000x128xf32>
    %get3A_2 = arith.constant 0 : index
    %get3A_3 = arith.constant 0 : index
    %get3A_4 = vector.load %arg3[%get3A_2, %get3A_3] : memref<1000x1xf32, #tpu.memory_space<vmem>>, vector<1000x1xf32>
    %add3A = arith.constant 1.000000e+00 : f32
    %add3A_5 = vector.broadcast %add3A : f32 to vector<1000x1xf32>
    %add3A_6 = arith.addf %get3A_4, %add3A_5 : vector<1000x1xf32>
    %rsqrt3A = math.rsqrt %add3A_6 : vector<1000x1xf32>
    %mul3A = vector.broadcast %rsqrt3A : vector<1000x1xf32> to vector<1000x128xf32>
    %mul3A_7 = arith.mulf %get3A_1, %mul3A : vector<1000x128xf32>
    %swap3A = arith.constant 0 : index
    %swap3A_8 = arith.constant 0 : index
    %swap3A_9 = arith.constant 0 : index
    %swap3A_10 = vector.load %arg4[%swap3A, %swap3A_8, %swap3A_9] : memref<1x1000x128xf32, #tpu.memory_space<vmem>>, vector<1x1000x128xf32>
    %swap3A_11 = vector.shape_cast %swap3A_10 : vector<1x1000x128xf32> to vector<1000x128xf32>
    %swap3A_12 = vector.shape_cast %mul3A_7 : vector<1000x128xf32> to vector<1x1000x128xf32>
    tpu.vector_store %arg4[%swap3A, %swap3A_8, %swap3A_9], %swap3A_12 {strides = array<i32>} : memref<1x1000x128xf32, #tpu.memory_space<vmem>>, vector<1x1000x128xf32>,
    return
  }
  func.func @transform_0(%arg0: i32, %arg1: i32) -> (i32, i32) {
    %c0_i32 = arith.constant 0 : i32
    return %arg0, %arg1 : i32, i32
  }
  func.func @transform_1(%arg0: i32, %arg1: i32) -> (i32, i32) {
    %c0_i32 = arith.constant 0 : i32
    %c0_i32_0 = arith.constant 0 : i32
    return %arg0, %c0_i32 : i32, i32
  }
  func.func @transform_2(%arg0: i32, %arg1: i32) -> (i32, i32, i32) {
    %c0_i32 = arith.constant 0 : i32
    %c0_i32_0 = arith.constant 0 : i32
    return %arg1, %arg0, %c0_i32 : i32, i32, i32
  }
}

module attributes {stable_mosaic.version = 14 : i64} {
  func.func @_mid_body(%arg0: i32, %arg1: memref<2x1000x128xf32, #tpu.memory_space<vmem>>, %arg2: memref<2x1000x128xf32, #tpu.memory_space<vmem>>, %arg3: memref<1000x1xf32, #tpu.memory_space<vmem>>, %arg4: memref<256x256xf32, #tpu.memory_space<vmem>>, %arg5: memref<1x256xf32, #tpu.memory_space<vmem>>, %arg6: memref<2x1000x128xf32, #tpu.memory_space<vmem>>) attributes {dimension_semantics = [#tpu.dimension_semantics<arbitrary>], iteration_bounds = array<i64: 10>, scalar_prefetch = 0 : i64, scratch_operands = 0 : i64, tpu.core_type = #tpu.core_type<tc>, window_params = [{transform_indices = @transform_0, window_bounds = array<i64: 2, 1000, 128>}, {transform_indices = @transform_1, window_bounds = array<i64: 2, 1000, 128>}, {transform_indices = @transform_2, window_bounds = array<i64: 1000, 1>}, {pipeline_mode = #tpu.pipeline_mode<synchronous>, transform_indices = @transform_3, window_bounds = array<i64: 256, 256>}, {pipeline_mode = #tpu.pipeline_mode<synchronous>, transform_indices = @transform_4, window_bounds = array<i64: 1, 256>}, {transform_indices = @transform_5, window_bounds = array<i64: 2, 1000, 128>}]} {
    %get3A = arith.constant 0 : index
    %get3A_0 = arith.constant 0 : index
    %get3A_1 = arith.constant 0 : index
    %get3A_2 = vector.load %arg1[%get3A, %get3A_0, %get3A_1] : memref<2x1000x128xf32, #tpu.memory_space<vmem>>, vector<1x1000x128xf32>
    %get3A_3 = vector.shape_cast %get3A_2 : vector<1x1000x128xf32> to vector<1000x128xf32>
    %get3A_4 = arith.constant 0 : index
    %get3A_5 = arith.constant 0 : index
    %get3A_6 = arith.constant 0 : index
    %get3A_7 = vector.load %arg2[%get3A_4, %get3A_5, %get3A_6] : memref<2x1000x128xf32, #tpu.memory_space<vmem>>, vector<1x1000x128xf32>
    %get3A_8 = vector.shape_cast %get3A_7 : vector<1x1000x128xf32> to vector<1000x128xf32>
    %add3A = arith.addf %get3A_3, %get3A_8 : vector<1000x128xf32>
    %get3A_9 = arith.constant 1 : index
    %get3A_10 = arith.constant 0 : index
    %get3A_11 = arith.constant 0 : index
    %get3A_12 = vector.load %arg1[%get3A_9, %get3A_10, %get3A_11] : memref<2x1000x128xf32, #tpu.memory_space<vmem>>, vector<1x1000x128xf32>
    %get3A_13 = vector.shape_cast %get3A_12 : vector<1x1000x128xf32> to vector<1000x128xf32>
    %get3A_14 = arith.constant 1 : index
    %get3A_15 = arith.constant 0 : index
    %get3A_16 = arith.constant 0 : index
    %get3A_17 = vector.load %arg2[%get3A_14, %get3A_15, %get3A_16] : memref<2x1000x128xf32, #tpu.memory_space<vmem>>, vector<1x1000x128xf32>
    %get3A_18 = vector.shape_cast %get3A_17 : vector<1x1000x128xf32> to vector<1000x128xf32>
    %add3A_19 = arith.addf %get3A_13, %get3A_18 : vector<1000x128xf32>
    %concatenate3A = tpu.concatenate %add3A, %add3A_19 in 1 : vector<1000x128xf32>, vector<1000x128xf32> -> vector<1000x256xf32>
    %get3A_20 = arith.constant 0 : index
    %get3A_21 = arith.constant 0 : index
    %get3A_22 = vector.load %arg3[%get3A_20, %get3A_21] : memref<1000x1xf32, #tpu.memory_space<vmem>>, vector<1000x1xf32>
    %add3A_23 = arith.constant 1.000000e+00 : f32
    %add3A_24 = vector.broadcast %add3A_23 : f32 to vector<1000x1xf32>
    %add3A_25 = arith.addf %get3A_22, %add3A_24 : vector<1000x1xf32>
    %rsqrt3A = math.rsqrt %add3A_25 : vector<1000x1xf32>
    %mul3A = vector.broadcast %rsqrt3A : vector<1000x1xf32> to vector<1000x256xf32>
    %mul3A_26 = arith.mulf %concatenate3A, %mul3A : vector<1000x256xf32>
    %get3A_27 = arith.constant 0 : index
    %get3A_28 = arith.constant 0 : index
    %get3A_29 = vector.load %arg5[%get3A_27, %get3A_28] : memref<1x256xf32, #tpu.memory_space<vmem>>, vector<1x256xf32>
    %add3A_30 = vector.broadcast %get3A_29 : vector<1x256xf32> to vector<1000x256xf32>
    %add3A_31 = arith.addf %mul3A_26, %add3A_30 : vector<1000x256xf32>
    %gt3A = arith.constant 0.000000e+00 : f32
    %gt3A_32 = vector.broadcast %gt3A : f32 to vector<1000x256xf32>
    %gt3A_33 = arith.cmpf ogt, %add3A_31, %gt3A_32 : vector<1000x256xf32>
    %mul3A_34 = arith.constant 0.00999999977 : f32
    %mul3A_35 = vector.broadcast %mul3A_34 : f32 to vector<1000x256xf32>
    %mul3A_36 = arith.mulf %mul3A_35, %add3A_31 : vector<1000x256xf32>
    %select_n3A = arith.select %gt3A_33, %add3A_31, %mul3A_36 : vector<1000x256xi1>, vector<1000x256xf32>
    %get3A_37 = arith.constant 0 : index
    %get3A_38 = arith.constant 0 : index
    %get3A_39 = vector.load %arg4[%get3A_37, %get3A_38] : memref<256x256xf32, #tpu.memory_space<vmem>>, vector<256x256xf32>
    %dot_general3A = arith.constant dense<0.000000e+00> : vector<1000x256xf32>
    %dot_general3A_40 = tpu.matmul %select_n3A, %get3A_39, %dot_general3A {dimension_numbers = #tpu.dot_dimension_numbers<[1], [0], [0], [1], [0, 0, 1, 1], [], []>, transpose_lhs_hint = false} : vector<1000x256xf32>, vector<256x256xf32>, vector<1000x256xf32> -> vector<1000x256xf32>
    %mul3A_41 = vector.broadcast %rsqrt3A : vector<1000x1xf32> to vector<1000x256xf32>
    %mul3A_42 = arith.mulf %dot_general3A_40, %mul3A_41 : vector<1000x256xf32>
    %slice3A = vector.extract_strided_slice %mul3A_42 {offsets = [0, 0], sizes = [1000, 128], strides = [1, 1]} : vector<1000x256xf32> to vector<1000x128xf32>
    %swap3A = arith.constant 0 : index
    %swap3A_43 = arith.constant 0 : index
    %swap3A_44 = arith.constant 0 : index
    %swap3A_45 = vector.load %arg6[%swap3A, %swap3A_43, %swap3A_44] : memref<2x1000x128xf32, #tpu.memory_space<vmem>>, vector<1x1000x128xf32>
    %swap3A_46 = vector.shape_cast %swap3A_45 : vector<1x1000x128xf32> to vector<1000x128xf32>
    %swap3A_47 = vector.shape_cast %slice3A : vector<1000x128xf32> to vector<1x1000x128xf32>
    tpu.vector_store %arg6[%swap3A, %swap3A_43, %swap3A_44], %swap3A_47 {strides = array<i32>} : memref<2x1000x128xf32, #tpu.memory_space<vmem>>, vector<1x1000x128xf32>,
    %slice3A_48 = vector.extract_strided_slice %mul3A_42 {offsets = [0, 128], sizes = [1000, 128], strides = [1, 1]} : vector<1000x256xf32> to vector<1000x128xf32>
    %swap3A_49 = arith.constant 1 : index
    %swap3A_50 = arith.constant 0 : index
    %swap3A_51 = arith.constant 0 : index
    %swap3A_52 = vector.load %arg6[%swap3A_49, %swap3A_50, %swap3A_51] : memref<2x1000x128xf32, #tpu.memory_space<vmem>>, vector<1x1000x128xf32>
    %swap3A_53 = vector.shape_cast %swap3A_52 : vector<1x1000x128xf32> to vector<1000x128xf32>
    %swap3A_54 = vector.shape_cast %slice3A_48 : vector<1000x128xf32> to vector<1x1000x128xf32>
    tpu.vector_store %arg6[%swap3A_49, %swap3A_50, %swap3A_51], %swap3A_54 {strides = array<i32>} : memref<2x1000x128xf32, #tpu.memory_space<vmem>>, vector<1x1000x128xf32>,
    return
  }
  func.func @transform_0(%arg0: i32) -> (i32, i32, i32) {
    %c0_i32 = arith.constant 0 : i32
    %c0_i32_0 = arith.constant 0 : i32
    %c0_i32_1 = arith.constant 0 : i32
    return %c0_i32, %arg0, %c0_i32_0 : i32, i32, i32
  }
  func.func @transform_1(%arg0: i32) -> (i32, i32, i32) {
    %c0_i32 = arith.constant 0 : i32
    %c0_i32_0 = arith.constant 0 : i32
    %c0_i32_1 = arith.constant 0 : i32
    return %c0_i32, %arg0, %c0_i32_0 : i32, i32, i32
  }
  func.func @transform_2(%arg0: i32) -> (i32, i32) {
    %c0_i32 = arith.constant 0 : i32
    %c0_i32_0 = arith.constant 0 : i32
    return %arg0, %c0_i32 : i32, i32
  }
  func.func @transform_3(%arg0: i32) -> (i32, i32) {
    %c0_i32 = arith.constant 0 : i32
    %c0_i32_0 = arith.constant 0 : i32
    %c0_i32_1 = arith.constant 0 : i32
    return %c0_i32, %c0_i32_0 : i32, i32
  }
  func.func @transform_4(%arg0: i32) -> (i32, i32) {
    %c0_i32 = arith.constant 0 : i32
    %c0_i32_0 = arith.constant 0 : i32
    %c0_i32_1 = arith.constant 0 : i32
    return %c0_i32, %c0_i32_0 : i32, i32
  }
  func.func @transform_5(%arg0: i32) -> (i32, i32, i32) {
    %c0_i32 = arith.constant 0 : i32
    %c0_i32_0 = arith.constant 0 : i32
    %c0_i32_1 = arith.constant 0 : i32
    return %c0_i32, %arg0, %c0_i32_0 : i32, i32, i32
  }
}

module attributes {stable_mosaic.version = 14 : i64} {
  func.func @_out_body(%arg0: i32, %arg1: memref<2x1000x128xf32, #tpu.memory_space<vmem>>, %arg2: memref<2x1000x128xf32, #tpu.memory_space<vmem>>, %arg3: memref<1000x1xf32, #tpu.memory_space<vmem>>, %arg4: memref<1x256xf32, #tpu.memory_space<vmem>>, %arg5: memref<1000x256xf32, #tpu.memory_space<vmem>>) attributes {dimension_semantics = [#tpu.dimension_semantics<arbitrary>], iteration_bounds = array<i64: 10>, scalar_prefetch = 0 : i64, scratch_operands = 0 : i64, tpu.core_type = #tpu.core_type<tc>, window_params = [{transform_indices = @transform_0, window_bounds = array<i64: 2, 1000, 128>}, {transform_indices = @transform_1, window_bounds = array<i64: 2, 1000, 128>}, {transform_indices = @transform_2, window_bounds = array<i64: 1000, 1>}, {pipeline_mode = #tpu.pipeline_mode<synchronous>, transform_indices = @transform_3, window_bounds = array<i64: 1, 256>}, {transform_indices = @transform_4, window_bounds = array<i64: 1000, 256>}]} {
    %get3A = arith.constant 0 : index
    %get3A_0 = arith.constant 0 : index
    %get3A_1 = arith.constant 0 : index
    %get3A_2 = vector.load %arg1[%get3A, %get3A_0, %get3A_1] : memref<2x1000x128xf32, #tpu.memory_space<vmem>>, vector<1x1000x128xf32>
    %get3A_3 = vector.shape_cast %get3A_2 : vector<1x1000x128xf32> to vector<1000x128xf32>
    %get3A_4 = arith.constant 0 : index
    %get3A_5 = arith.constant 0 : index
    %get3A_6 = arith.constant 0 : index
    %get3A_7 = vector.load %arg2[%get3A_4, %get3A_5, %get3A_6] : memref<2x1000x128xf32, #tpu.memory_space<vmem>>, vector<1x1000x128xf32>
    %get3A_8 = vector.shape_cast %get3A_7 : vector<1x1000x128xf32> to vector<1000x128xf32>
    %add3A = arith.addf %get3A_3, %get3A_8 : vector<1000x128xf32>
    %get3A_9 = arith.constant 1 : index
    %get3A_10 = arith.constant 0 : index
    %get3A_11 = arith.constant 0 : index
    %get3A_12 = vector.load %arg1[%get3A_9, %get3A_10, %get3A_11] : memref<2x1000x128xf32, #tpu.memory_space<vmem>>, vector<1x1000x128xf32>
    %get3A_13 = vector.shape_cast %get3A_12 : vector<1x1000x128xf32> to vector<1000x128xf32>
    %get3A_14 = arith.constant 1 : index
    %get3A_15 = arith.constant 0 : index
    %get3A_16 = arith.constant 0 : index
    %get3A_17 = vector.load %arg2[%get3A_14, %get3A_15, %get3A_16] : memref<2x1000x128xf32, #tpu.memory_space<vmem>>, vector<1x1000x128xf32>
    %get3A_18 = vector.shape_cast %get3A_17 : vector<1x1000x128xf32> to vector<1000x128xf32>
    %add3A_19 = arith.addf %get3A_13, %get3A_18 : vector<1000x128xf32>
    %concatenate3A = tpu.concatenate %add3A, %add3A_19 in 1 : vector<1000x128xf32>, vector<1000x128xf32> -> vector<1000x256xf32>
    %get3A_20 = arith.constant 0 : index
    %get3A_21 = arith.constant 0 : index
    %get3A_22 = vector.load %arg3[%get3A_20, %get3A_21] : memref<1000x1xf32, #tpu.memory_space<vmem>>, vector<1000x1xf32>
    %add3A_23 = arith.constant 1.000000e+00 : f32
    %add3A_24 = vector.broadcast %add3A_23 : f32 to vector<1000x1xf32>
    %add3A_25 = arith.addf %get3A_22, %add3A_24 : vector<1000x1xf32>
    %rsqrt3A = math.rsqrt %add3A_25 : vector<1000x1xf32>
    %mul3A = vector.broadcast %rsqrt3A : vector<1000x1xf32> to vector<1000x256xf32>
    %mul3A_26 = arith.mulf %concatenate3A, %mul3A : vector<1000x256xf32>
    %get3A_27 = arith.constant 0 : index
    %get3A_28 = arith.constant 0 : index
    %get3A_29 = vector.load %arg4[%get3A_27, %get3A_28] : memref<1x256xf32, #tpu.memory_space<vmem>>, vector<1x256xf32>
    %add3A_30 = vector.broadcast %get3A_29 : vector<1x256xf32> to vector<1000x256xf32>
    %add3A_31 = arith.addf %mul3A_26, %add3A_30 : vector<1000x256xf32>
    %swap3A = arith.constant 0 : index
    %swap3A_32 = arith.constant 0 : index
    %swap3A_33 = vector.load %arg5[%swap3A, %swap3A_32] : memref<1000x256xf32, #tpu.memory_space<vmem>>, vector<1000x256xf32>
    tpu.vector_store %arg5[%swap3A, %swap3A_32], %add3A_31 {strides = array<i32>} : memref<1000x256xf32, #tpu.memory_space<vmem>>, vector<1000x256xf32>,
    return
  }
  func.func @transform_0(%arg0: i32) -> (i32, i32, i32) {
    %c0_i32 = arith.constant 0 : i32
    %c0_i32_0 = arith.constant 0 : i32
    %c0_i32_1 = arith.constant 0 : i32
    return %c0_i32, %arg0, %c0_i32_0 : i32, i32, i32
  }
  func.func @transform_1(%arg0: i32) -> (i32, i32, i32) {
    %c0_i32 = arith.constant 0 : i32
    %c0_i32_0 = arith.constant 0 : i32
    %c0_i32_1 = arith.constant 0 : i32
    return %c0_i32, %arg0, %c0_i32_0 : i32, i32, i32
  }
  func.func @transform_2(%arg0: i32) -> (i32, i32) {
    %c0_i32 = arith.constant 0 : i32
    %c0_i32_0 = arith.constant 0 : i32
    return %arg0, %c0_i32 : i32, i32
  }
  func.func @transform_3(%arg0: i32) -> (i32, i32) {
    %c0_i32 = arith.constant 0 : i32
    %c0_i32_0 = arith.constant 0 : i32
    %c0_i32_1 = arith.constant 0 : i32
    return %c0_i32, %c0_i32_0 : i32, i32
  }
  func.func @transform_4(%arg0: i32) -> (i32, i32) {
    %c0_i32 = arith.constant 0 : i32
    %c0_i32_0 = arith.constant 0 : i32
    return %arg0, %c0_i32 : i32, i32
  }
}

</mosaic_0001>

<sc_bundles>
// kernel: kernel.12.cloned.1.call-start
scs
__scs_entry_jumppad:
0x0: {  	(pc) =	sbr.rel $0x88, $3  }
0x1: {  	(tag) =	ssettag $0x0;
	lr =	simm.s32 $0x1  }
0x2: {  	[smem:$0x3F9B] =	sst lr;
	_ =	strace $0xD0000000  }
0x3: {  	_ = 	snop  }
0x4: {  	_ = 	snop  }
0x5: {  	_ = 	snop  }
0x6: {  	_ = 	snop  }
0x7: {  	_ = 	snop  }
__scs_overlays_trampoline_lowered:
0x8: {  	[smem:$0x3FAA] =	sst s0  }
0x9: {  	[smem:$0x3FAB] =	sst s1  }
0xa: {  	[smem:$0x3FAC] =	sst s2  }
0xb: {  	[smem:$0x3FAD] =	sst s3  }
0xc: {  	[smem:$0x3FAE] =	sst s4  }
0xd: {  	[smem:$0x3FAF] =	sst s5  }
0xe: {  	[smem:$0x3FB0] =	sst s6  }
0xf: {  	[smem:$0x3FB1] =	sst s7  }
0x10: {  	[smem:$0x3FB2] =	sst s8  }
0x11: {  	[smem:$0x3FB3] =	sst s9;
	s0 =	simm.s32 @!p0 $0x0  }
0x12: {  	s1 =	sld [smem:$0x3F99];
	s0 =	simm.s32 @p0 $0x1  }
0x13: {  	[smem:$0x3FB4] =	sst s0;
	s0 =	simm.s32 @!p1 $0x0  }
0x14: {  	s2 =	sld [smem:$0x3F98];
	s0 =	simm.s32 @p1 $0x1  }
0x15: {  	[smem:$0x3FB5] =	sst s0;
	s0 =	simm.s32 @!p2 $0x0  }
0x16: {  	s3 =	sld [smem:$0x3FDB];
	s0 =	simm.s32 @p2 $0x1  }
0x17: {  	s4 =	simm.s32 $0x1BF5;
	[smem:$0x3FB7] =	sst s0  }
0x18: {  	s0 =	sld [smem:$0x3F9A];
	_ =	swait.ge [sflag:s4], $0x0  }
0x19: {  	s7 =	sld [smem:$0x3F9B]  }
0x1a: {  	s8 =	sadd.s32 $0xFFFFE003, lr  }
0x1b: {  	s9 =	sadd.s32 $0xFFFFFEF7, lr;
	s5 =	simm.s32 $0xFFFFFFFF;
	p2 =	slt.u32 s8, $0xFFFFF086  }
0x1c: {  	p1 =	slt.u32 s9, $0xF7A;
	s5 =	simm.s32 @!p2 $0x0  }
0x1d: {  	s5 =	simm.s32 @p1 $0x1;
	p0 =	seq.s32 s7, s2  }
0x1e: {  	s7 =	smul.u32 @!p0 $0xF7A, s2;
	p2 =	seq.s32 @!p0 s5, $0x0  }
0x1f: {  	s9 =	smul.u32 $0xF7A, s1;
	s8 =	simm.s32 @!p0 $0x1BF5;
	p2 =	por !p2, p0  }
0x20: {  	[sflag:s8] =	ssyncset.s32 @!p0 $0xFFFFF086;
	s6 =	sadd.s32 @!p0 s3, s7;
	s7 =	simm.s32 @!p0 $0x108  }
0x21: {  	s3 =	sadd.s32 s3, s9;
	s6 =	sadd.s32 @!p0 $0x88, s6;
	s7 =	simm.s32 @p2 $0x1082  }
0x22: {  	[simem:s7], [sflag:s8] =	dma.local @!p0 [hbm:s6], $0xF7A  }
0x23: {  	s9 =	sor.u32 $0xD0000000, s2;
	s6 =	simm.s32 $0x108;
	_ =	swait.ge @!p0 [sflag:s8], $0x0  }
0x24: {  	s3 =	sadd.s32 $0x88, s3;
	s6 =	simm.s32 @!p1 $0x1082;
	[sflag:s4] =	ssyncset.s32 $0xFFFFF086  }
0x25: {  	[simem:s6], [sflag:s4] =	dma.local [hbm:s3], $0xF7A  }
0x26: {  	[smem:$0x3F9B] =	sst s1;
	(tag) =	ssettag s2;
	_ =	strace s9  }
0x27: {  	s1 =	sld [smem:$0x3FAB]  }
0x28: {  	s2 =	sld [smem:$0x3FAC]  }
0x29: {  	s4 =	sld [smem:$0x3FAE]  }
0x2a: {  	p0 =	seq.s32 s5, $0x0;
	s5 =	sld [smem:$0x3FAF]  }
0x2b: {  	s6 =	sld [smem:$0x3FB0]  }
0x2c: {  	s7 =	sld [smem:$0x3FB1]  }
0x2d: {  	s3 =	simm.s32 $0x108;
	s8 =	sld [smem:$0x3FB2]  }
0x2e: {  	s3 =	simm.s32 @!p0 $0x1082;
	s9 =	sld [smem:$0x3FB3]  }
0x2f: {  	lr =	sadd.s32 s0, s3;
	s0 =	sld [smem:$0x3FAA]  }
0x30: {  	s3 =	sld [smem:$0x3FAD]  }
0x31: {  	[smem:$0x3FB6] =	sst s10  }
0x32: {  	s10 =	sld [smem:$0x3FB4];
	_ =	sdelay $0x3  }
0x33: {  	p0 =	seq.s32 s10, $0x1;
	s10 =	sld [smem:$0x3FB6];
	_ =	sdelay $0x3  }
0x34: {  	[smem:$0x3FB6] =	sst s10  }
0x35: {  	s10 =	sld [smem:$0x3FB5];
	_ =	sdelay $0x3  }
0x36: {  	p1 =	seq.s32 s10, $0x1;
	s10 =	sld [smem:$0x3FB6];
	_ =	sdelay $0x3  }
0x37: {  	[smem:$0x3FB6] =	sst s10  }
0x38: {  	s10 =	sld [smem:$0x3FB7]  }
0x39: {  	_ = 	snop;
	(pc) =	sbr.ind lr, $3  }
0x3a: {  	_ = 	snop  }
0x3b: {  	_ = 	snop  }
0x3c: {  	p2 =	seq.s32 s10, $0x1;
	s10 =	sld [smem:$0x3FB6]  }
0x3d: {  	_ =	shalt  }
0x3e: {  	_ =	shalt  }
0x3f: {  	_ =	shalt  }
0x40: {  	_ =	shalt  }
0x41: {  	_ =	shalt  }
0x42: {  	_ =	shalt  }
0x43: {  	_ =	shalt  }
0x44: {  	_ =	shalt  }
0x45: {  	_ =	shalt  }
0x46: {  	_ =	shalt  }
0x47: {  	_ =	shalt  }
0x48: {  	_ =	shalt  }
0x49: {  	_ =	shalt  }
0x4a: {  	_ =	shalt  }
0x4b: {  	_ =	shalt  }
0x4c: {  	_ =	shalt  }
0x4d: {  	_ =	shalt  }
0x4e: {  	_ =	shalt  }
0x4f: {  	_ =	shalt  }
0x50: {  	_ =	shalt  }
0x51: {  	_ =	shalt  }
0x52: {  	_ =	shalt  }
0x53: {  	_ =	shalt  }
0x54: {  	_ =	shalt  }
0x55: {  	_ =	shalt  }
0x56: {  	_ =	shalt  }
0x57: {  	_ =	shalt  }
0x58: {  	_ =	shalt  }
0x59: {  	_ =	shalt  }
0x5a: {  	_ =	shalt  }
0x5b: {  	_ =	shalt  }
0x5c: {  	_ =	shalt  }
0x5d: {  	_ =	shalt  }
0x5e: {  	_ =	shalt  }
0x5f: {  	_ =	shalt  }
0x60: {  	_ =	shalt  }
0x61: {  	_ =	shalt  }
0x62: {  	_ =	shalt  }
0x63: {  	_ =	shalt  }
0x64: {  	_ =	shalt  }
0x65: {  	_ =	shalt  }
0x66: {  	_ =	shalt  }
0x67: {  	_ =	shalt  }
0x68: {  	_ =	shalt  }
0x69: {  	_ =	shalt  }
0x6a: {  	_ =	shalt  }
0x6b: {  	_ =	shalt  }
0x6c: {  	_ =	shalt  }
0x6d: {  	_ =	shalt  }
0x6e: {  	_ =	shalt  }
0x6f: {  	_ =	shalt  }
0x70: {  	_ =	shalt  }
0x71: {  	_ =	shalt  }
0x72: {  	_ =	shalt  }
0x73: {  	_ =	shalt  }
0x74: {  	_ =	shalt  }
0x75: {  	_ =	shalt  }
0x76: {  	_ =	shalt  }
0x77: {  	_ =	shalt  }
0x78: {  	_ =	shalt  }
0x79: {  	_ =	shalt  }
0x7a: {  	_ =	shalt  }
0x7b: {  	_ =	shalt  }
0x7c: {  	_ =	shalt  }
0x7d: {  	_ =	shalt  }
0x7e: {  	_ =	shalt  }
0x7f: {  	_ =	shalt  }
0x80: {  	_ =	shalt  }
0x81: {  	_ =	shalt  }
0x82: {  	_ =	shalt  }
0x83: {  	_ =	shalt  }
0x84: {  	_ =	shalt  }
0x85: {  	_ =	shalt  }
0x86: {  	_ =	shalt  }
0x87: {  	_ =	shalt  }
.Lfunc_end0:
.L_simem_size_0:
called_computation.1_lowered:
.L_overlay_start_0:
0x88: {  	s2 =	sld [smem:$0x3FD9]  }
0x89: {  	s3 =	sld [smem:$0x3FFE];
	_ =	sdelay $0x1  }
0x8a: {  	s1 =	srdreg.scid  }
0x8b: {  	s0 =	sand.u32 $0x1, s1  }
0x8c: {  	s17 =	sshll.u32 s0, $0xA;
	s2 =	sadd.s32 s3, s2  }
0x8d: {  	s2 =	sadd.s32 s2, s17  }
0x8e: {  	[smem:$0x3FC2] =	sst s2  }
0x8f: {  	_ = 	snop  }
0x90: {  	s2 =	sld [smem:$0x3FD0];
	(tm) =	ssettm $0x1  }
0x91: {  	s18 =	sld [smem:$0x3FFB];
	_ =	sdelay $0x3  }
0x92: {  	_ =	strace s18  }
0x93: {  	s3 =	sld [smem:$0x3FFC];
	_ =	sdelay $0x3  }
0x94: {  	_ =	strace s3  }
0x95: {  	s3 =	sld [smem:$0x3FFD];
	_ =	sdelay $0x3  }
0x96: {  	_ =	strace s3  }
0x97: {  	_ =	strace $0x8FFFFFFF  }
0x98: {  	s19 =	sld [smem:$0x3FDB];
	_ =	sdelay $0x1  }
0x99: {  	s4 =	simm.s32 $_scs_section_size  }
0x9a: {  	s5 =	simm.s32 $_size__tile_overlayer_lowered;
	s6 =	simm.s32 $_tile_overlayer_lowered  }
0x9b: {  	s22 =	simm.s32 $0x1BFF;
	s21 =	sshll.u32 s6, $0x1;
	s3 =	sadd.s32 s4, s19  }
0x9c: {  	s7 =	simm.s32 $0x0;
	s20 =	sshll.u32 s5, $0x1;
	s5 =	sadd.s32 s21, s3  }
0x9d: {  	[timem:s7], [sflag:s22] =	dma.local [hbm:s5], s20  }
0x9e: {  	_ =	swait.ge [sflag:s22], s20  }
0x9f: {  	s4 =	ssub.s32 $0x0, s20;
	[sflag:s22] =	ssyncset.done $0x0  }
0xa0: {  	[sflag:s22] =	ssyncadd.s32 s4;
	_ =	sdelay $0x1  }
0xa1: {  	s23 =	simm.s32 $0x1B8B  }
0xa2: {  	_ =	swait.ge [sflag:s23], $0x1  }
0xa3: {  	[sflag:s23] =	ssyncset.done $0x0  }
0xa4: {  	s25 =	simm.s32 $0x1B8E;
	s24 =	sld [smem:$0x3FFE];
	[sflag:s23] =	ssyncadd.s32 $0xFFFFFFFF  }
0xa5: {  	s26 =	simm.s32 $execute0_lowered;
	[smem:$0x3FD2] =	sst s25  }
0xa6: {  	s5 =	sshll.u32 s26, $0x1;
	_ =	strace $0x80000049;
	[dreg:$0x1] =	wrdreg $0xFFFFFFFF  }
0xa7: {  	s28 =	simm.s32 $_size_execute0_lowered;
	s3 =	sadd.s32 s3, s5;
	[dreg:$0x0] =	wrdreg $0x0  }
0xa8: {  	s5 =	sshll.u32 s28, $0x1;
	[dreg:$0x2] =	wrdreg s3  }
0xa9: {  	[dreg:$0x3] =	wrdreg s5  }
0xaa: {  	[dreg:$0x4] =	wrdreg $0xC0  }
0xab: {  	_ =	task [dreg:s7], $0x5FFFF  }
0xac: {  	[dreg:$0x1] =	wrdreg $0xFFFFFFFF  }
0xad: {  	[dreg:$0x0] =	wrdreg $0x60  }
0xae: {  	[dreg:$0x2] =	wrdreg s2  }
0xaf: {  	[dreg:$0x3] =	wrdreg s24  }
0xb0: {  	[dreg:$0x4] =	wrdreg $0xA8000  }
0xb1: {  	[dreg:$0x5] =	wrdreg $0x9  }
0xb2: {  	_ =	task.clear_ibuf [dreg:s7], $0x6FFFF;
	_ =	strace $0x90000049  }
0xb3: {  	s29 =	simm.s32 $0x9;
	_ =	strace $0x8000004B  }
0xb4: {  	_ =	swait.ge [sflag:s29], $0x1  }
0xb5: {  	[sflag:s29] =	ssyncadd.s32 $0xFFFFFFFF  }
0xb6: {  	_ =	strace $0x9000004B  }
0xb7: {  	_ =	sfence  }
0xb8: {  	s30 =	sld [smem:$0x0];
	_ =	sdelay $0x2  }
0xb9: {  	s31 =	sshll.u32 s1, $0xD;
	s1 =	sshrl.u32 s1, $0x2  }
0xba: {  	s3 =	sand.u32 $0x4000, s31;
	s1 =	sadd.s32 s1, s30  }
0xbb: {  	s0 =	sor.u32 s3, s0;
	s1 =	sshll.u32 s1, $0x11  }
0xbc: {  	s0 =	sor.u32 s1, s0  }
0xbd: {  	s0 =	sadd.s32 $0x8F2B, s0  }
0xbe: {  	[sflag:s0] =	ssyncadd.remote.s32 $0x1  }
0xbf: {  	_ =	sfence.sel $0xFFFF  }
0xc0: {  	[dreg:$0x0] =	wrdreg $0xFFFFFFFF;
	(pc) =	sbr.abs _section_cstart, $3  }
0xc1: {  	[dreg:$0x1] =	wrdreg $0xFFFFFFFF  }
0xc2: {  	_ =	task.clear_ibuf [dreg:s7], $0x2FFFF;
	_ =	strace $0x9FFFFFFF  }
0xc3: {  	(tm) =	ssettm $0x7FFFFFFF  }
tec
execute0_lowered:
.L_overlay_start_1:
0x0: {  	(tag) =	ssettag $0x1  }
0x1: {  	s0 =	srdreg.scid;
	s2 =	rddreg [dreg:$0x0]  }
0x2: {  	s9 =	stileid.u32;
	s5 =	rddreg [dreg:$0x1];
	s4 =	simm.s32 $0x0  }
0x3: {  	s28 =	simm.s32 $0x6800;
	s29 =	simm.s32 $0x1;
	s30 =	simm.s32 $0x2  }
0x4: {  	s31 =	simm.s32 $0x1380;
	s0 =	sand.u32 $0x1, s0;
	s6 =	smul.u32 $0x500, s9  }
0x5: {  	s3 =	sshll.u32 s9, $0x1;
	s7 =	smul.u32 $0x278, s9;
	[smem:$0x7FF] =	sst s4  }
0x6: {  	s19 =	smul.u32 $0x4F000, s9;
	s20 =	sadd.s32 $0x10600, s5;
	s23 =	sshll.u32 s9, $0x6  }
0x7: {  	s1 =	sshll.u32 s0, $0x5;
	s8 =	smul.u32 $0x2780, s0;
	s0 =	ssub.s32 $0x2, s0  }
0x8: {  	s1 =	sor.u32 s3, s1;
	s3 =	rddreg [dreg:$0x2];
	_ =	strace $0x8000004A  }
0x9: {  	s21 =	sadd.s32 s6, s5;
	[dreg:$0x4] =	wrdreg s20;
	s22 =	sshrl.u32 s0, $0x1  }
0xa: {  	s1 =	smul.u32 $0x280, s1;
	s18 =	sadd.s32 s8, s7;
	s7 =	sshrl.u32 s19, $0x2  }
0xb: {  	s0 =	ssub.s32 s0, s22;
	s19 =	sadd.s32 $0x1600, s21;
	s21 =	sadd.s32 $0x1880, s21  }
0xc: {  	s6 =	sshll.u32 s18, $0x4;
	s0 =	smax.u32 s0, $0x1;
	s1 =	sadd.s32 s1, s5  }
0xd: {  	s5 =	sadd.s32 s6, s5;
	s6 =	sadd.s32 s7, s3;
	s7 =	sor.u32 $0x1C03, s23  }
0xe: {  	[dreg:$0x8] =	wrdreg s0;
	s23 =	simm.s32 $0x3;
	s0 =	simm.s32 $0x2780  }
0xf: {  	[dreg:$0x5] =	wrdreg s7;
	s24 =	sadd.s32 $0x10000, s6;
	s25 =	sadd.s32 $0x14E00, s5  }
0x10: {  	s26 =	sadd.s32 $0x12E00, s5;
	s12 =	sadd.s32 $0x4000, s6;
	s13 =	sadd.s32 $0x13600, s5  }
0x11: {  	s14 =	sadd.s32 $0x8000, s6;
	s15 =	sadd.s32 $0x13E00, s5;
	s16 =	sadd.s32 $0xC000, s6  }
0x12: {  	s17 =	sadd.s32 $0x14600, s5;
	s18 =	sadd.s32 $0x6600, s1;
	[dreg:$0x6] =	wrdreg s24  }
0x13: {  	s20 =	sadd.s32 $0x6880, s1;
	s22 =	sshrl.u32 s6, $0x3;
	[dreg:$0x7] =	wrdreg s25  }
0x14: {  	s1 =	simm.s32 $0x2700;
	s5 =	simm.s32 $0x0;
	[dreg:$0x9] =	wrdreg s26  }
0x15: {  	s24 =	simm.s32 $0x1400;
	s25 =	simm.s32 $0x80;
	s26 =	simm.s32 $0x2800  }
.LBB2_1:
0x16: {  	s7 =	rddreg [dreg:$0x4]  }
0x17: {  	s8 =	rddreg [dreg:$0x5]  }
0x18: {  	[spmem:s22], [sflag:s8] =	dma.local [hbm:s7], $0x2780  }
0x19: {  	_ =	swait.ge [sflag:s23], $0x2780  }
0x1a: {  	[sflag:s23] =	ssyncset.done $0x0  }
0x1b: {  	[sflag:s23] =	ssyncadd.s32 $0xFFFFD880  }
0x1c: {  	[bflag:$0x0] =	sbarrier.arrive $0xFFFF  }
0x1d: {  	[tilespmem:s4], [sflag:$0x3] =	stream.linear.gather [hbm4b:s18+s4], $0x1400, $0x38;
	[tilespmem:$0x1E400] =	vst v63  }
0x1e: {  	_ =	swait.ge [sflag:s23], $0x1400  }
0x1f: {  	[sflag:s23] =	ssyncset.done $0x0  }
0x20: {  	[sflag:s23] =	ssyncadd.s32 $0xFFFFEC00  }
0x21: {  	[tilespmem:s24], [sflag:$0x3] =	stream.linear.gather [hbm4b:s19+s4], $0x1400, $0x38;
	[tilespmem:$0x1E400] =	vst v63  }
0x22: {  	_ =	swait.ge [sflag:s23], $0x1400  }
0x23: {  	[sflag:s23] =	ssyncset.done $0x0  }
0x24: {  	[sflag:s23] =	ssyncadd.s32 $0xFFFFEC00  }
0x25: {  	[tilespmem:s26], [sflag:$0x1] =	stream.indirect.gather [hbm4b:s2+s25], $0x80, s4, s25, $0xb8;
	[tilespmem:$0x1E400] =	vst v63  }
0x26: {  	s8 =	simm.s32 $0x80  }
0x27: {  	[tilespmem:s28], [sflag:$0x2] =	stream.indirect.gather [hbm4b:s2+s25], $0x80, s8, s25, $0xb8;
	[tilespmem:$0x1E400] =	vst v63  }
0x28: {  	_ =	swait.ge [sflag:s29], $0x4000  }
0x29: {  	[sflag:s29] =	ssyncset.done $0x0  }
0x2a: {  	s9 =	simm.s32 $0x1400;
	[sflag:s29] =	ssyncadd.s32 $0xFFFFC000  }
0x2b: {  	[spmem:s3] =	stream.indirect.scatter.add.f32 [tilespmem:s26], [sflag:$0x3], $0x80, s9, s25, $0xb8;
	[tilespmem:$0x1E400] =	vst v63  }
0x2c: {  	_ =	swait.ge [sflag:s23], $0x4000  }
0x2d: {  	[sflag:s23] =	ssyncset.done $0x0  }
0x2e: {  	s10 =	simm.s32 $0x100;
	[sflag:s23] =	ssyncadd.s32 $0xFFFFC000  }
0x2f: {  	[tilespmem:s26], [sflag:$0x1] =	stream.indirect.gather [hbm4b:s2+s25], $0x80, s10, s25, $0xb8;
	[tilespmem:$0x1E400] =	vst v63  }
0x30: {  	_ =	swait.ge [sflag:s30], $0x4000  }
0x31: {  	[sflag:s30] =	ssyncset.done $0x0  }
0x32: {  	s11 =	simm.s32 $0x1480;
	[sflag:s30] =	ssyncadd.s32 $0xFFFFC000  }
0x33: {  	[spmem:s3] =	stream.indirect.scatter.add.f32 [tilespmem:s28], [sflag:$0x3], $0x80, s11, s25, $0xb8;
	[tilespmem:$0x1E400] =	vst v63  }
0x34: {  	_ =	swait.ge [sflag:s23], $0x4000  }
0x35: {  	s7 =	simm.s32 $0x100;
	s8 =	simm.s32 $0x800;
	[sflag:s23] =	ssyncset.done $0x0  }
.LBB2_2:
0x36: {  	s9 =	sadd.s32 $0x80, s7  }
0x37: {  	[sflag:s23] =	ssyncadd.s32 $0xFFFFC000;
	s10 =	smov.u32 s8;
	s11 =	sadd.s32 $0x400, s8  }
0x38: {  	[tilespmem:s28], [sflag:$0x2] =	stream.indirect.gather [hbm4b:s2+s25], $0x80, s9, s25, $0xb8;
	[tilespmem:$0x1E400] =	vst v63  }
0x39: {  	p0 =	sne.s32 s8, $0x4800;
	_ =	swait.ge [sflag:s29], $0x4000  }
0x3a: {  	[sflag:s29] =	ssyncset.done $0x0  }
0x3b: {  	s8 =	sadd.s32 $0x1400, s7;
	[sflag:s29] =	ssyncadd.s32 $0xFFFFC000  }
0x3c: {  	[spmem:s3] =	stream.indirect.scatter.add.f32 [tilespmem:s26], [sflag:$0x3], $0x80, s8, s25, $0xb8;
	[tilespmem:$0x1E400] =	vst v63  }
0x3d: {  	_ =	swait.ge [sflag:s23], $0x4000  }
0x3e: {  	[sflag:s23] =	ssyncset.done $0x0  }
0x3f: {  	s8 =	sadd.s32 $0x100, s7;
	[sflag:s23] =	ssyncadd.s32 $0xFFFFC000  }
0x40: {  	[tilespmem:s26], [sflag:$0x1] =	stream.indirect.gather [hbm4b:s2+s25], $0x80, s8, s25, $0xb8;
	[tilespmem:$0x1E400] =	vst v63  }
0x41: {  	_ =	swait.ge [sflag:s30], $0x4000  }
.Ltmp0:
0x42: {  	[sflag:s30] =	ssyncset.done $0x0;
	(pc) =	sbr.rel @p0 .LBB2_2-.Ltmp0, $4  }
0x43: {  	s7 =	sadd.s32 $0x1480, s7;
	[sflag:s30] =	ssyncadd.s32 $0xFFFFC000  }
0x44: {  	[spmem:s3] =	stream.indirect.scatter.add.f32 [tilespmem:s28], [sflag:$0x3], $0x80, s7, s25, $0xb8;
	[tilespmem:$0x1E400] =	vst v63  }
0x45: {  	_ =	swait.ge [sflag:s23], $0x4000  }
0x46: {  	s8 =	smov.u32 s11;
	s7 =	sshra.s32 s10, $0x2;
	[sflag:s23] =	ssyncset.done $0x0  }
0x47: {  	s8 =	sadd.s32 $0x80, s7;
	[sflag:s23] =	ssyncadd.s32 $0xFFFFC000  }
0x48: {  	[tilespmem:s28], [sflag:$0x2] =	stream.indirect.gather [hbm4b:s2+s25], $0x80, s8, s25, $0xb8;
	[tilespmem:$0x1E400] =	vst v63  }
0x49: {  	_ =	swait.ge [sflag:s29], $0x4000  }
0x4a: {  	[sflag:s29] =	ssyncset.done $0x0  }
0x4b: {  	s11 =	sadd.s32 $0x1400, s7;
	[sflag:s29] =	ssyncadd.s32 $0xFFFFC000  }
0x4c: {  	[spmem:s3] =	stream.indirect.scatter.add.f32 [tilespmem:s26], [sflag:$0x3], $0x80, s11, s25, $0xb8;
	[tilespmem:$0x1E400] =	vst v63  }
0x4d: {  	_ =	swait.ge [sflag:s23], $0x4000  }
0x4e: {  	[sflag:s23] =	ssyncset.done $0x0  }
0x4f: {  	s9 =	sadd.s32 $0x100, s7;
	[sflag:s23] =	ssyncadd.s32 $0xFFFFC000  }
0x50: {  	[tilespmem:s26], [sflag:$0x1] =	stream.indirect.gather [hbm4b:s2+s25], $0x80, s9, s25, $0xb8;
	[tilespmem:$0x1E400] =	vst v63  }
0x51: {  	_ =	swait.ge [sflag:s30], $0x4000  }
0x52: {  	[sflag:s30] =	ssyncset.done $0x0  }
0x53: {  	s10 =	sadd.s32 $0x1480, s7;
	[sflag:s30] =	ssyncadd.s32 $0xFFFFC000  }
0x54: {  	[spmem:s3] =	stream.indirect.scatter.add.f32 [tilespmem:s28], [sflag:$0x3], $0x80, s10, s25, $0xb8;
	[tilespmem:$0x1E400] =	vst v63  }
0x55: {  	_ =	swait.ge [sflag:s23], $0x4000  }
0x56: {  	[sflag:s23] =	ssyncset.done $0x0  }
0x57: {  	[sflag:s23] =	ssyncadd.s32 $0xFFFFC000  }
0x58: {  	[tilespmem:s28], [sflag:$0x2] =	stream.indirect.gather [hbm4b:s2+s25], $0x80, s31, s25, $0xb8;
	[tilespmem:$0x1E400] =	vst v63  }
0x59: {  	_ =	swait.ge [sflag:s29], $0x4000  }
0x5a: {  	[sflag:s29] =	ssyncset.done $0x0  }
0x5b: {  	[sflag:s29] =	ssyncadd.s32 $0xFFFFC000  }
0x5c: {  	[spmem:s3] =	stream.indirect.scatter.add.f32 [tilespmem:s26], [sflag:$0x3], $0x80, s1, s25, $0xb8;
	[tilespmem:$0x1E400] =	vst v63  }
0x5d: {  	_ =	swait.ge [sflag:s23], $0x4000  }
0x5e: {  	[sflag:s23] =	ssyncset.done $0x0  }
0x5f: {  	[sflag:s23] =	ssyncadd.s32 $0xFFFFC000  }
0x60: {  	_ =	swait.ge [sflag:s30], $0x4000  }
0x61: {  	[sflag:s30] =	ssyncset.done $0x0  }
0x62: {  	[sflag:s30] =	ssyncadd.s32 $0xFFFFC000  }
0x63: {  	[spmem:s3] =	stream.indirect.scatter.add.f32 [tilespmem:s28], [sflag:$0x3], $0x80, s0, s25, $0xb8;
	[tilespmem:$0x1E400] =	vst v63  }
0x64: {  	_ =	swait.ge [sflag:s23], $0x4000  }
0x65: {  	[sflag:s23] =	ssyncset.done $0x0  }
0x66: {  	s11 =	simm.s32 $0x0;
	[sflag:s23] =	ssyncadd.s32 $0xFFFFC000  }
0x67: {  	[tilespmem:s11], [sflag:$0x3] =	stream.linear.gather [hbm4b:s20+s11], $0x1400, $0x38;
	[tilespmem:$0x1E400] =	vst v63  }
0x68: {  	_ =	swait.ge [sflag:s23], $0x1400  }
0x69: {  	[sflag:s23] =	ssyncset.done $0x0  }
0x6a: {  	[sflag:s23] =	ssyncadd.s32 $0xFFFFEC00  }
0x6b: {  	[tilespmem:s24], [sflag:$0x3] =	stream.linear.gather [hbm4b:s21+s11], $0x1400, $0x38;
	[tilespmem:$0x1E400] =	vst v63  }
0x6c: {  	_ =	swait.ge [sflag:s23], $0x1400  }
0x6d: {  	[sflag:s23] =	ssyncset.done $0x0  }
0x6e: {  	[sflag:s23] =	ssyncadd.s32 $0xFFFFEC00  }
0x6f: {  	[tilespmem:s26], [sflag:$0x1] =	stream.indirect.gather [hbm4b:s2+s25], $0x80, s11, s25, $0xb8;
	[tilespmem:$0x1E400] =	vst v63  }
0x70: {  	s8 =	simm.s32 $0x80  }
0x71: {  	[tilespmem:s28], [sflag:$0x2] =	stream.indirect.gather [hbm4b:s2+s25], $0x80, s8, s25, $0xb8;
	[tilespmem:$0x1E400] =	vst v63  }
0x72: {  	_ =	swait.ge [sflag:s29], $0x4000  }
0x73: {  	[sflag:s29] =	ssyncset.done $0x0  }
0x74: {  	s9 =	simm.s32 $0x1400;
	[sflag:s29] =	ssyncadd.s32 $0xFFFFC000  }
0x75: {  	[spmem:s3] =	stream.indirect.scatter.add.f32 [tilespmem:s26], [sflag:$0x3], $0x80, s9, s25, $0xb8;
	[tilespmem:$0x1E400] =	vst v63  }
0x76: {  	_ =	swait.ge [sflag:s23], $0x4000  }
0x77: {  	[sflag:s23] =	ssyncset.done $0x0  }
0x78: {  	s10 =	simm.s32 $0x100;
	[sflag:s23] =	ssyncadd.s32 $0xFFFFC000  }
0x79: {  	[tilespmem:s26], [sflag:$0x1] =	stream.indirect.gather [hbm4b:s2+s25], $0x80, s10, s25, $0xb8;
	[tilespmem:$0x1E400] =	vst v63  }
0x7a: {  	_ =	swait.ge [sflag:s30], $0x4000  }
0x7b: {  	[sflag:s30] =	ssyncset.done $0x0  }
0x7c: {  	s11 =	simm.s32 $0x1480;
	[sflag:s30] =	ssyncadd.s32 $0xFFFFC000  }
0x7d: {  	[spmem:s3] =	stream.indirect.scatter.add.f32 [tilespmem:s28], [sflag:$0x3], $0x80, s11, s25, $0xb8;
	[tilespmem:$0x1E400] =	vst v63  }
0x7e: {  	_ =	swait.ge [sflag:s23], $0x4000  }
0x7f: {  	s7 =	simm.s32 $0x100;
	s8 =	simm.s32 $0x800;
	[sflag:s23] =	ssyncset.done $0x0  }
.LBB2_4:
0x80: {  	s9 =	sadd.s32 $0x80, s7  }
0x81: {  	[sflag:s23] =	ssyncadd.s32 $0xFFFFC000;
	s10 =	smov.u32 s8;
	s11 =	sadd.s32 $0x400, s8  }
0x82: {  	[tilespmem:s28], [sflag:$0x2] =	stream.indirect.gather [hbm4b:s2+s25], $0x80, s9, s25, $0xb8;
	[tilespmem:$0x1E400] =	vst v63  }
0x83: {  	p0 =	sne.s32 s8, $0x4800;
	_ =	swait.ge [sflag:s29], $0x4000  }
0x84: {  	[sflag:s29] =	ssyncset.done $0x0  }
0x85: {  	s8 =	sadd.s32 $0x1400, s7;
	[sflag:s29] =	ssyncadd.s32 $0xFFFFC000  }
0x86: {  	[spmem:s3] =	stream.indirect.scatter.add.f32 [tilespmem:s26], [sflag:$0x3], $0x80, s8, s25, $0xb8;
	[tilespmem:$0x1E400] =	vst v63  }
0x87: {  	_ =	swait.ge [sflag:s23], $0x4000  }
0x88: {  	[sflag:s23] =	ssyncset.done $0x0  }
0x89: {  	s8 =	sadd.s32 $0x100, s7;
	[sflag:s23] =	ssyncadd.s32 $0xFFFFC000  }
0x8a: {  	[tilespmem:s26], [sflag:$0x1] =	stream.indirect.gather [hbm4b:s2+s25], $0x80, s8, s25, $0xb8;
	[tilespmem:$0x1E400] =	vst v63  }
0x8b: {  	_ =	swait.ge [sflag:s30], $0x4000  }
.Ltmp1:
0x8c: {  	[sflag:s30] =	ssyncset.done $0x0;
	(pc) =	sbr.rel @p0 .LBB2_4-.Ltmp1, $4  }
0x8d: {  	s7 =	sadd.s32 $0x1480, s7;
	[sflag:s30] =	ssyncadd.s32 $0xFFFFC000  }
0x8e: {  	[spmem:s3] =	stream.indirect.scatter.add.f32 [tilespmem:s28], [sflag:$0x3], $0x80, s7, s25, $0xb8;
	[tilespmem:$0x1E400] =	vst v63  }
0x8f: {  	_ =	swait.ge [sflag:s23], $0x4000  }
0x90: {  	s8 =	smov.u32 s11;
	s7 =	sshra.s32 s10, $0x2;
	[sflag:s23] =	ssyncset.done $0x0  }
0x91: {  	s8 =	sadd.s32 $0x80, s7;
	[sflag:s23] =	ssyncadd.s32 $0xFFFFC000  }
0x92: {  	[tilespmem:s28], [sflag:$0x2] =	stream.indirect.gather [hbm4b:s2+s25], $0x80, s8, s25, $0xb8;
	[tilespmem:$0x1E400] =	vst v63  }
0x93: {  	_ =	swait.ge [sflag:s29], $0x4000  }
0x94: {  	[sflag:s29] =	ssyncset.done $0x0  }
0x95: {  	s9 =	sadd.s32 $0x1400, s7;
	[sflag:s29] =	ssyncadd.s32 $0xFFFFC000  }
0x96: {  	[spmem:s3] =	stream.indirect.scatter.add.f32 [tilespmem:s26], [sflag:$0x3], $0x80, s9, s25, $0xb8;
	[tilespmem:$0x1E400] =	vst v63  }
0x97: {  	_ =	swait.ge [sflag:s23], $0x4000  }
0x98: {  	[sflag:s23] =	ssyncset.done $0x0  }
0x99: {  	s10 =	sadd.s32 $0x100, s7;
	[sflag:s23] =	ssyncadd.s32 $0xFFFFC000  }
0x9a: {  	[tilespmem:s26], [sflag:$0x1] =	stream.indirect.gather [hbm4b:s2+s25], $0x80, s10, s25, $0xb8;
	[tilespmem:$0x1E400] =	vst v63  }
0x9b: {  	_ =	swait.ge [sflag:s30], $0x4000  }
0x9c: {  	[sflag:s30] =	ssyncset.done $0x0  }
0x9d: {  	s11 =	sadd.s32 $0x1480, s7;
	[sflag:s30] =	ssyncadd.s32 $0xFFFFC000  }
0x9e: {  	[spmem:s3] =	stream.indirect.scatter.add.f32 [tilespmem:s28], [sflag:$0x3], $0x80, s11, s25, $0xb8;
	[tilespmem:$0x1E400] =	vst v63  }
0x9f: {  	_ =	swait.ge [sflag:s23], $0x4000  }
0xa0: {  	[sflag:s23] =	ssyncset.done $0x0  }
0xa1: {  	[sflag:s23] =	ssyncadd.s32 $0xFFFFC000  }
0xa2: {  	[tilespmem:s28], [sflag:$0x2] =	stream.indirect.gather [hbm4b:s2+s25], $0x80, s31, s25, $0xb8;
	[tilespmem:$0x1E400] =	vst v63  }
0xa3: {  	_ =	swait.ge [sflag:s29], $0x4000  }
0xa4: {  	[sflag:s29] =	ssyncset.done $0x0  }
0xa5: {  	[sflag:s29] =	ssyncadd.s32 $0xFFFFC000  }
0xa6: {  	[spmem:s3] =	stream.indirect.scatter.add.f32 [tilespmem:s26], [sflag:$0x3], $0x80, s1, s25, $0xb8;
	[tilespmem:$0x1E400] =	vst v63  }
0xa7: {  	_ =	swait.ge [sflag:s23], $0x4000  }
0xa8: {  	[sflag:s23] =	ssyncset.done $0x0  }
0xa9: {  	[sflag:s23] =	ssyncadd.s32 $0xFFFFC000  }
0xaa: {  	_ =	swait.ge [sflag:s30], $0x4000  }
0xab: {  	[sflag:s30] =	ssyncset.done $0x0  }
0xac: {  	[sflag:s30] =	ssyncadd.s32 $0xFFFFC000  }
0xad: {  	[spmem:s3] =	stream.indirect.scatter.add.f32 [tilespmem:s28], [sflag:$0x3], $0x80, s0, s25, $0xb8;
	[tilespmem:$0x1E400] =	vst v63  }
0xae: {  	_ =	swait.ge [sflag:s23], $0x4000  }
0xaf: {  	[sflag:s23] =	ssyncset.done $0x0  }
0xb0: {  	[sflag:s23] =	ssyncadd.s32 $0xFFFFC000  }
0xb1: {  	[bflag:$0x0] =	sbarrier.arrive $0xFFFF  }
0xb2: {  	[tilespmem:s26], [sflag:$0x3] =	stream.linear.gather [spmem:s6], $0x4000, $0x38;
	[tilespmem:$0x1E400] =	vst v63  }
0xb3: {  	_ =	swait.ge [sflag:s23], $0x4000  }
0xb4: {  	[sflag:s23] =	ssyncset.done $0x0  }
0xb5: {  	s8 =	rddreg [dreg:$0x9];
	[sflag:s23] =	ssyncadd.s32 $0xFFFFC000  }
0xb6: {  	[hbm4b:s8+s4] =	stream.linear.scatter [tilespmem:s26], [sflag:$0x3], $0x4000, $0x38;
	[tilespmem:$0x1E400] =	vst v63  }
0xb7: {  	_ =	swait.ge [sflag:s23], $0x4000  }
0xb8: {  	[sflag:s23] =	ssyncset.done $0x0  }
0xb9: {  	[sflag:s23] =	ssyncadd.s32 $0xFFFFC000  }
0xba: {  	[tilespmem:s26], [sflag:$0x3] =	stream.linear.gather [spmem:s12], $0x4000, $0x38;
	[tilespmem:$0x1E400] =	vst v63  }
0xbb: {  	_ =	swait.ge [sflag:s23], $0x4000  }
0xbc: {  	[sflag:s23] =	ssyncset.done $0x0  }
0xbd: {  	[sflag:s23] =	ssyncadd.s32 $0xFFFFC000  }
0xbe: {  	[hbm4b:s13+s4] =	stream.linear.scatter [tilespmem:s26], [sflag:$0x3], $0x4000, $0x38;
	[tilespmem:$0x1E400] =	vst v63  }
0xbf: {  	_ =	swait.ge [sflag:s23], $0x4000  }
0xc0: {  	[sflag:s23] =	ssyncset.done $0x0  }
0xc1: {  	[sflag:s23] =	ssyncadd.s32 $0xFFFFC000  }
0xc2: {  	[tilespmem:s26], [sflag:$0x3] =	stream.linear.gather [spmem:s14], $0x4000, $0x38;
	[tilespmem:$0x1E400] =	vst v63  }
0xc3: {  	_ =	swait.ge [sflag:s23], $0x4000  }
0xc4: {  	[sflag:s23] =	ssyncset.done $0x0  }
0xc5: {  	[sflag:s23] =	ssyncadd.s32 $0xFFFFC000  }
0xc6: {  	[hbm4b:s15+s4] =	stream.linear.scatter [tilespmem:s26], [sflag:$0x3], $0x4000, $0x38;
	[tilespmem:$0x1E400] =	vst v63  }
0xc7: {  	_ =	swait.ge [sflag:s23], $0x4000  }
0xc8: {  	[sflag:s23] =	ssyncset.done $0x0  }
0xc9: {  	[sflag:s23] =	ssyncadd.s32 $0xFFFFC000  }
0xca: {  	[tilespmem:s26], [sflag:$0x3] =	stream.linear.gather [spmem:s16], $0x4000, $0x38;
	[tilespmem:$0x1E400] =	vst v63  }
0xcb: {  	_ =	swait.ge [sflag:s23], $0x4000  }
0xcc: {  	[sflag:s23] =	ssyncset.done $0x0  }
0xcd: {  	[sflag:s23] =	ssyncadd.s32 $0xFFFFC000  }
0xce: {  	[hbm4b:s17+s4] =	stream.linear.scatter [tilespmem:s26], [sflag:$0x3], $0x4000, $0x38;
	[tilespmem:$0x1E400] =	vst v63  }
0xcf: {  	_ =	swait.ge [sflag:s23], $0x4000  }
0xd0: {  	[sflag:s23] =	ssyncset.done $0x0  }
0xd1: {  	s9 =	rddreg [dreg:$0x6];
	[sflag:s23] =	ssyncadd.s32 $0xFFFFC000  }
0xd2: {  	[tilespmem:s26], [sflag:$0x3] =	stream.linear.gather [spmem:s9], $0x3C00, $0x38;
	[tilespmem:$0x1E400] =	vst v63  }
0xd3: {  	_ =	swait.ge [sflag:s23], $0x3C00  }
0xd4: {  	[sflag:s23] =	ssyncset.done $0x0  }
0xd5: {  	s10 =	rddreg [dreg:$0x7];
	[sflag:s23] =	ssyncadd.s32 $0xFFFFC400  }
0xd6: {  	[hbm4b:s10+s4] =	stream.linear.scatter [tilespmem:s26], [sflag:$0x3], $0x3C00, $0x38;
	[tilespmem:$0x1E400] =	vst v63  }
0xd7: {  	_ =	swait.ge [sflag:s23], $0x3C00  }
0xd8: {  	s5 =	sadd.s32 $0x1, s5;
	s11 =	rddreg [dreg:$0x8]  }
0xd9: {  	p0 =	sne.s32 s5, s11  }
.Ltmp2:
0xda: {  	_ = 	snop;
	(pc) =	sbr.rel @p0 .LBB2_1-.Ltmp2, $3  }
0xdb: {  	[sflag:s23] =	ssyncset.done $0x0  }
0xdc: {  	[sflag:s23] =	ssyncadd.s32 $0xFFFFC400  }
0xdd: {  	[bflag:$0x0] =	sbarrier.arrive $0xFFFF;
	_ =	sdelay $0x1  }
0xde: {  	_ =	sfence.sel $0x180000  }
0xdf: {  	[bflag:$0x0] =	sbarrier.arrive $0xFFFF  }
0xe0: {  	_ =	strace $0x9000004A  }
0xe1: {  	s0 =	stileid.u32;
	[bflag:$0x2] =	sbarrier.arrive $0xFFFF  }
0xe2: {  	p0 =	sne.s32 s0, $0x0;
	s0 =	rddreg [dreg:$0x3]  }
0xe3: {  	s0 =	sadd.s32 @!p0 $0x100000, s0  }
0xe4: {  	[sflag:s0] =	ssyncadd.tile.s32 @!p0 $0x1;
	_ =	shalt  }
.Lfunc_end2:
_tile_overlayer_lowered:
.L_overlay_start_2:
0xe5: {  	(tag) =	ssettag $0x2  }
0xe6: {  	s0 =	rddreg [dreg:$0x0];
	s2 =	stileid.u32  }
0xe7: {  	s1 =	rddreg [dreg:$0x1];
	p0 =	sne.s32 s2, $0x0  }
0xe8: {  	s3 =	rddreg [dreg:$0x2];
	[bflag:$0x3] =	sbarrier.arrive $0xFFFF;
	s2 =	simm.s32 @!p0 $0x1C03  }
0xe9: {  	[timem:s3], [sflag:s2] =	dma.local @!p0 [hbm:s0], s1  }
0xea: {  	s0 =	simm.s32 @!p0 $0x3  }
0xeb: {  	_ =	swait.ge @!p0 [sflag:s0], s1  }
0xec: {  	s1 =	ssub.s32 @!p0 $0x0, s1;
	[sflag:s0] =	ssyncset.done @!p0 $0x0  }
0xed: {  	[sflag:s0] =	ssyncadd.s32 @!p0 s1  }
0xee: {  	[bflag:$0x3] =	sbarrier.arrive $0xFFFF  }
0xef: {  	_ =	shalt  }

// kernel: kernel.9.cloned.1.call-start
scs
__scs_entry_jumppad:
0x0: {  	(pc) =	sbr.rel $0x88, $3  }
0x1: {  	(tag) =	ssettag $0x0;
	lr =	simm.s32 $0x1  }
0x2: {  	[smem:$0x3F9B] =	sst lr;
	_ =	strace $0xD0000000  }
0x3: {  	_ = 	snop  }
0x4: {  	_ = 	snop  }
0x5: {  	_ = 	snop  }
0x6: {  	_ = 	snop  }
0x7: {  	_ = 	snop  }
__scs_overlays_trampoline_lowered:
0x8: {  	[smem:$0x3FAA] =	sst s0  }
0x9: {  	[smem:$0x3FAB] =	sst s1  }
0xa: {  	[smem:$0x3FAC] =	sst s2  }
0xb: {  	[smem:$0x3FAD] =	sst s3  }
0xc: {  	[smem:$0x3FAE] =	sst s4  }
0xd: {  	[smem:$0x3FAF] =	sst s5  }
0xe: {  	[smem:$0x3FB0] =	sst s6  }
0xf: {  	[smem:$0x3FB1] =	sst s7  }
0x10: {  	[smem:$0x3FB2] =	sst s8  }
0x11: {  	[smem:$0x3FB3] =	sst s9;
	s0 =	simm.s32 @!p0 $0x0  }
0x12: {  	s1 =	sld [smem:$0x3F99];
	s0 =	simm.s32 @p0 $0x1  }
0x13: {  	[smem:$0x3FB4] =	sst s0;
	s0 =	simm.s32 @!p1 $0x0  }
0x14: {  	s2 =	sld [smem:$0x3F98];
	s0 =	simm.s32 @p1 $0x1  }
0x15: {  	[smem:$0x3FB5] =	sst s0;
	s0 =	simm.s32 @!p2 $0x0  }
0x16: {  	s3 =	sld [smem:$0x3FDB];
	s0 =	simm.s32 @p2 $0x1  }
0x17: {  	s4 =	simm.s32 $0x1BF5;
	[smem:$0x3FB7] =	sst s0  }
0x18: {  	s0 =	sld [smem:$0x3F9A];
	_ =	swait.ge [sflag:s4], $0x0  }
0x19: {  	s7 =	sld [smem:$0x3F9B]  }
0x1a: {  	s8 =	sadd.s32 $0xFFFFE003, lr  }
0x1b: {  	s9 =	sadd.s32 $0xFFFFFEF7, lr;
	s5 =	simm.s32 $0xFFFFFFFF;
	p2 =	slt.u32 s8, $0xFFFFF086  }
0x1c: {  	p1 =	slt.u32 s9, $0xF7A;
	s5 =	simm.s32 @!p2 $0x0  }
0x1d: {  	s5 =	simm.s32 @p1 $0x1;
	p0 =	seq.s32 s7, s2  }
0x1e: {  	s7 =	smul.u32 @!p0 $0xF7A, s2;
	p2 =	seq.s32 @!p0 s5, $0x0  }
0x1f: {  	s9 =	smul.u32 $0xF7A, s1;
	s8 =	simm.s32 @!p0 $0x1BF5;
	p2 =	por !p2, p0  }
0x20: {  	[sflag:s8] =	ssyncset.s32 @!p0 $0xFFFFF086;
	s6 =	sadd.s32 @!p0 s3, s7;
	s7 =	simm.s32 @!p0 $0x108  }
0x21: {  	s3 =	sadd.s32 s3, s9;
	s6 =	sadd.s32 @!p0 $0x88, s6;
	s7 =	simm.s32 @p2 $0x1082  }
0x22: {  	[simem:s7], [sflag:s8] =	dma.local @!p0 [hbm:s6], $0xF7A  }
0x23: {  	s9 =	sor.u32 $0xD0000000, s2;
	s6 =	simm.s32 $0x108;
	_ =	swait.ge @!p0 [sflag:s8], $0x0  }
0x24: {  	s3 =	sadd.s32 $0x88, s3;
	s6 =	simm.s32 @!p1 $0x1082;
	[sflag:s4] =	ssyncset.s32 $0xFFFFF086  }
0x25: {  	[simem:s6], [sflag:s4] =	dma.local [hbm:s3], $0xF7A  }
0x26: {  	[smem:$0x3F9B] =	sst s1;
	(tag) =	ssettag s2;
	_ =	strace s9  }
0x27: {  	s1 =	sld [smem:$0x3FAB]  }
0x28: {  	s2 =	sld [smem:$0x3FAC]  }
0x29: {  	s4 =	sld [smem:$0x3FAE]  }
0x2a: {  	p0 =	seq.s32 s5, $0x0;
	s5 =	sld [smem:$0x3FAF]  }
0x2b: {  	s6 =	sld [smem:$0x3FB0]  }
0x2c: {  	s7 =	sld [smem:$0x3FB1]  }
0x2d: {  	s3 =	simm.s32 $0x108;
	s8 =	sld [smem:$0x3FB2]  }
0x2e: {  	s3 =	simm.s32 @!p0 $0x1082;
	s9 =	sld [smem:$0x3FB3]  }
0x2f: {  	lr =	sadd.s32 s0, s3;
	s0 =	sld [smem:$0x3FAA]  }
0x30: {  	s3 =	sld [smem:$0x3FAD]  }
0x31: {  	[smem:$0x3FB6] =	sst s10  }
0x32: {  	s10 =	sld [smem:$0x3FB4];
	_ =	sdelay $0x3  }
0x33: {  	p0 =	seq.s32 s10, $0x1;
	s10 =	sld [smem:$0x3FB6];
	_ =	sdelay $0x3  }
0x34: {  	[smem:$0x3FB6] =	sst s10  }
0x35: {  	s10 =	sld [smem:$0x3FB5];
	_ =	sdelay $0x3  }
0x36: {  	p1 =	seq.s32 s10, $0x1;
	s10 =	sld [smem:$0x3FB6];
	_ =	sdelay $0x3  }
0x37: {  	[smem:$0x3FB6] =	sst s10  }
0x38: {  	s10 =	sld [smem:$0x3FB7]  }
0x39: {  	_ = 	snop;
	(pc) =	sbr.ind lr, $3  }
0x3a: {  	_ = 	snop  }
0x3b: {  	_ = 	snop  }
0x3c: {  	p2 =	seq.s32 s10, $0x1;
	s10 =	sld [smem:$0x3FB6]  }
0x3d: {  	_ =	shalt  }
0x3e: {  	_ =	shalt  }
0x3f: {  	_ =	shalt  }
0x40: {  	_ =	shalt  }
0x41: {  	_ =	shalt  }
0x42: {  	_ =	shalt  }
0x43: {  	_ =	shalt  }
0x44: {  	_ =	shalt  }
0x45: {  	_ =	shalt  }
0x46: {  	_ =	shalt  }
0x47: {  	_ =	shalt  }
0x48: {  	_ =	shalt  }
0x49: {  	_ =	shalt  }
0x4a: {  	_ =	shalt  }
0x4b: {  	_ =	shalt  }
0x4c: {  	_ =	shalt  }
0x4d: {  	_ =	shalt  }
0x4e: {  	_ =	shalt  }
0x4f: {  	_ =	shalt  }
0x50: {  	_ =	shalt  }
0x51: {  	_ =	shalt  }
0x52: {  	_ =	shalt  }
0x53: {  	_ =	shalt  }
0x54: {  	_ =	shalt  }
0x55: {  	_ =	shalt  }
0x56: {  	_ =	shalt  }
0x57: {  	_ =	shalt  }
0x58: {  	_ =	shalt  }
0x59: {  	_ =	shalt  }
0x5a: {  	_ =	shalt  }
0x5b: {  	_ =	shalt  }
0x5c: {  	_ =	shalt  }
0x5d: {  	_ =	shalt  }
0x5e: {  	_ =	shalt  }
0x5f: {  	_ =	shalt  }
0x60: {  	_ =	shalt  }
0x61: {  	_ =	shalt  }
0x62: {  	_ =	shalt  }
0x63: {  	_ =	shalt  }
0x64: {  	_ =	shalt  }
0x65: {  	_ =	shalt  }
0x66: {  	_ =	shalt  }
0x67: {  	_ =	shalt  }
0x68: {  	_ =	shalt  }
0x69: {  	_ =	shalt  }
0x6a: {  	_ =	shalt  }
0x6b: {  	_ =	shalt  }
0x6c: {  	_ =	shalt  }
0x6d: {  	_ =	shalt  }
0x6e: {  	_ =	shalt  }
0x6f: {  	_ =	shalt  }
0x70: {  	_ =	shalt  }
0x71: {  	_ =	shalt  }
0x72: {  	_ =	shalt  }
0x73: {  	_ =	shalt  }
0x74: {  	_ =	shalt  }
0x75: {  	_ =	shalt  }
0x76: {  	_ =	shalt  }
0x77: {  	_ =	shalt  }
0x78: {  	_ =	shalt  }
0x79: {  	_ =	shalt  }
0x7a: {  	_ =	shalt  }
0x7b: {  	_ =	shalt  }
0x7c: {  	_ =	shalt  }
0x7d: {  	_ =	shalt  }
0x7e: {  	_ =	shalt  }
0x7f: {  	_ =	shalt  }
0x80: {  	_ =	shalt  }
0x81: {  	_ =	shalt  }
0x82: {  	_ =	shalt  }
0x83: {  	_ =	shalt  }
0x84: {  	_ =	shalt  }
0x85: {  	_ =	shalt  }
0x86: {  	_ =	shalt  }
0x87: {  	_ =	shalt  }
.Lfunc_end0:
.L_simem_size_0:
called_computation_lowered:
.L_overlay_start_0:
0x88: {  	s2 =	sld [smem:$0x3FD9]  }
0x89: {  	s3 =	sld [smem:$0x3FFE];
	_ =	sdelay $0x1  }
0x8a: {  	s1 =	srdreg.scid  }
0x8b: {  	s0 =	sand.u32 $0x1, s1  }
0x8c: {  	s17 =	sshll.u32 s0, $0xA;
	s2 =	sadd.s32 s3, s2  }
0x8d: {  	s2 =	sadd.s32 s2, s17  }
0x8e: {  	[smem:$0x3FC2] =	sst s2  }
0x8f: {  	_ = 	snop  }
0x90: {  	s2 =	sld [smem:$0x3FD0];
	(tm) =	ssettm $0x1  }
0x91: {  	s18 =	sld [smem:$0x3FFB];
	_ =	sdelay $0x3  }
0x92: {  	_ =	strace s18  }
0x93: {  	s3 =	sld [smem:$0x3FFC];
	_ =	sdelay $0x3  }
0x94: {  	_ =	strace s3  }
0x95: {  	s3 =	sld [smem:$0x3FFD];
	_ =	sdelay $0x3  }
0x96: {  	_ =	strace s3  }
0x97: {  	_ =	strace $0x8FFFFFFF  }
0x98: {  	s19 =	sld [smem:$0x3FDB];
	_ =	sdelay $0x1  }
0x99: {  	s4 =	simm.s32 $_scs_section_size  }
0x9a: {  	s5 =	simm.s32 $_size__tile_overlayer_lowered;
	s6 =	simm.s32 $_tile_overlayer_lowered  }
0x9b: {  	s22 =	simm.s32 $0x1BFF;
	s21 =	sshll.u32 s6, $0x1;
	s3 =	sadd.s32 s4, s19  }
0x9c: {  	s7 =	simm.s32 $0x0;
	s20 =	sshll.u32 s5, $0x1;
	s5 =	sadd.s32 s21, s3  }
0x9d: {  	[timem:s7], [sflag:s22] =	dma.local [hbm:s5], s20  }
0x9e: {  	_ =	swait.ge [sflag:s22], s20  }
0x9f: {  	s4 =	ssub.s32 $0x0, s20;
	[sflag:s22] =	ssyncset.done $0x0  }
0xa0: {  	[sflag:s22] =	ssyncadd.s32 s4;
	_ =	sdelay $0x1  }
0xa1: {  	s23 =	simm.s32 $0x1B8B  }
0xa2: {  	_ =	swait.ge [sflag:s23], $0x1  }
0xa3: {  	[sflag:s23] =	ssyncset.done $0x0  }
0xa4: {  	s25 =	simm.s32 $0x1B8E;
	s24 =	sld [smem:$0x3FFE];
	[sflag:s23] =	ssyncadd.s32 $0xFFFFFFFF  }
0xa5: {  	s26 =	simm.s32 $execute0_lowered;
	[smem:$0x3FD2] =	sst s25  }
0xa6: {  	s5 =	sshll.u32 s26, $0x1;
	_ =	strace $0x80000046;
	[dreg:$0x1] =	wrdreg $0xFFFFFFFF  }
0xa7: {  	s28 =	simm.s32 $_size_execute0_lowered;
	s3 =	sadd.s32 s3, s5;
	[dreg:$0x0] =	wrdreg $0x0  }
0xa8: {  	s5 =	sshll.u32 s28, $0x1;
	[dreg:$0x2] =	wrdreg s3  }
0xa9: {  	[dreg:$0x3] =	wrdreg s5  }
0xaa: {  	[dreg:$0x4] =	wrdreg $0xC0  }
0xab: {  	_ =	task [dreg:s7], $0x5FFFF  }
0xac: {  	[dreg:$0x1] =	wrdreg $0xFFFFFFFF  }
0xad: {  	[dreg:$0x0] =	wrdreg $0x60  }
0xae: {  	[dreg:$0x2] =	wrdreg s2  }
0xaf: {  	[dreg:$0x3] =	wrdreg s24  }
0xb0: {  	[dreg:$0x4] =	wrdreg $0xA8000  }
0xb1: {  	[dreg:$0x5] =	wrdreg $0x9  }
0xb2: {  	_ =	task.clear_ibuf [dreg:s7], $0x6FFFF;
	_ =	strace $0x90000046  }
0xb3: {  	s29 =	simm.s32 $0x9;
	_ =	strace $0x80000048  }
0xb4: {  	_ =	swait.ge [sflag:s29], $0x1  }
0xb5: {  	[sflag:s29] =	ssyncadd.s32 $0xFFFFFFFF  }
0xb6: {  	_ =	strace $0x90000048  }
0xb7: {  	_ =	sfence  }
0xb8: {  	s30 =	sld [smem:$0x0];
	_ =	sdelay $0x2  }
0xb9: {  	s31 =	sshll.u32 s1, $0xD;
	s1 =	sshrl.u32 s1, $0x2  }
0xba: {  	s3 =	sand.u32 $0x4000, s31;
	s1 =	sadd.s32 s1, s30  }
0xbb: {  	s0 =	sor.u32 s3, s0;
	s1 =	sshll.u32 s1, $0x11  }
0xbc: {  	s0 =	sor.u32 s1, s0  }
0xbd: {  	s0 =	sadd.s32 $0x8F2B, s0  }
0xbe: {  	[sflag:s0] =	ssyncadd.remote.s32 $0x1  }
0xbf: {  	_ =	sfence.sel $0xFFFF  }
0xc0: {  	[dreg:$0x0] =	wrdreg $0xFFFFFFFF;
	(pc) =	sbr.abs _section_cstart, $3  }
0xc1: {  	[dreg:$0x1] =	wrdreg $0xFFFFFFFF  }
0xc2: {  	_ =	task.clear_ibuf [dreg:s7], $0x2FFFF;
	_ =	strace $0x9FFFFFFF  }
0xc3: {  	(tm) =	ssettm $0x7FFFFFFF  }
tec
execute0_lowered:
.L_overlay_start_1:
0x0: {  	(tag) =	ssettag $0x1  }
0x1: {  	s0 =	srdreg.scid;
	s2 =	rddreg [dreg:$0x0]  }
0x2: {  	s9 =	stileid.u32;
	s5 =	rddreg [dreg:$0x1];
	s4 =	simm.s32 $0x0  }
0x3: {  	s28 =	simm.s32 $0x6800;
	s29 =	simm.s32 $0x1;
	s30 =	simm.s32 $0x2  }
0x4: {  	s31 =	simm.s32 $0x1380;
	s0 =	sand.u32 $0x1, s0;
	s6 =	smul.u32 $0x500, s9  }
0x5: {  	s3 =	sshll.u32 s9, $0x1;
	s7 =	smul.u32 $0x278, s9;
	[smem:$0x7FF] =	sst s4  }
0x6: {  	s19 =	smul.u32 $0x4F000, s9;
	s20 =	sadd.s32 $0x10600, s5;
	s23 =	sshll.u32 s9, $0x6  }
0x7: {  	s1 =	sshll.u32 s0, $0x5;
	s8 =	smul.u32 $0x2780, s0;
	s0 =	ssub.s32 $0x2, s0  }
0x8: {  	s1 =	sor.u32 s3, s1;
	s3 =	rddreg [dreg:$0x2];
	_ =	strace $0x80000047  }
0x9: {  	s21 =	sadd.s32 s6, s5;
	[dreg:$0x4] =	wrdreg s20;
	s22 =	sshrl.u32 s0, $0x1  }
0xa: {  	s1 =	smul.u32 $0x280, s1;
	s18 =	sadd.s32 s8, s7;
	s7 =	sshrl.u32 s19, $0x2  }
0xb: {  	s0 =	ssub.s32 s0, s22;
	s19 =	sadd.s32 $0x1600, s21;
	s21 =	sadd.s32 $0x1880, s21  }
0xc: {  	s6 =	sshll.u32 s18, $0x4;
	s0 =	smax.u32 s0, $0x1;
	s1 =	sadd.s32 s1, s5  }
0xd: {  	s5 =	sadd.s32 s6, s5;
	s6 =	sadd.s32 s7, s3;
	s7 =	sor.u32 $0x1C03, s23  }
0xe: {  	[dreg:$0x8] =	wrdreg s0;
	s23 =	simm.s32 $0x3;
	s0 =	simm.s32 $0x2780  }
0xf: {  	[dreg:$0x5] =	wrdreg s7;
	s24 =	sadd.s32 $0x10000, s6;
	s25 =	sadd.s32 $0x14E00, s5  }
0x10: {  	s26 =	sadd.s32 $0x12E00, s5;
	s12 =	sadd.s32 $0x4000, s6;
	s13 =	sadd.s32 $0x13600, s5  }
0x11: {  	s14 =	sadd.s32 $0x8000, s6;
	s15 =	sadd.s32 $0x13E00, s5;
	s16 =	sadd.s32 $0xC000, s6  }
0x12: {  	s17 =	sadd.s32 $0x14600, s5;
	s18 =	sadd.s32 $0x6600, s1;
	[dreg:$0x6] =	wrdreg s24  }
0x13: {  	s20 =	sadd.s32 $0x6880, s1;
	s22 =	sshrl.u32 s6, $0x3;
	[dreg:$0x7] =	wrdreg s25  }
0x14: {  	s1 =	simm.s32 $0x2700;
	s5 =	simm.s32 $0x0;
	[dreg:$0x9] =	wrdreg s26  }
0x15: {  	s24 =	simm.s32 $0x1400;
	s25 =	simm.s32 $0x80;
	s26 =	simm.s32 $0x2800  }
.LBB2_1:
0x16: {  	s7 =	rddreg [dreg:$0x4]  }
0x17: {  	s8 =	rddreg [dreg:$0x5]  }
0x18: {  	[spmem:s22], [sflag:s8] =	dma.local [hbm:s7], $0x2780  }
0x19: {  	_ =	swait.ge [sflag:s23], $0x2780  }
0x1a: {  	[sflag:s23] =	ssyncset.done $0x0  }
0x1b: {  	[sflag:s23] =	ssyncadd.s32 $0xFFFFD880  }
0x1c: {  	[bflag:$0x0] =	sbarrier.arrive $0xFFFF  }
0x1d: {  	[tilespmem:s4], [sflag:$0x3] =	stream.linear.gather [hbm4b:s18+s4], $0x1400, $0x38;
	[tilespmem:$0x1E400] =	vst v63  }
0x1e: {  	_ =	swait.ge [sflag:s23], $0x1400  }
0x1f: {  	[sflag:s23] =	ssyncset.done $0x0  }
0x20: {  	[sflag:s23] =	ssyncadd.s32 $0xFFFFEC00  }
0x21: {  	[tilespmem:s24], [sflag:$0x3] =	stream.linear.gather [hbm4b:s19+s4], $0x1400, $0x38;
	[tilespmem:$0x1E400] =	vst v63  }
0x22: {  	_ =	swait.ge [sflag:s23], $0x1400  }
0x23: {  	[sflag:s23] =	ssyncset.done $0x0  }
0x24: {  	[sflag:s23] =	ssyncadd.s32 $0xFFFFEC00  }
0x25: {  	[tilespmem:s26], [sflag:$0x1] =	stream.indirect.gather [hbm4b:s2+s25], $0x80, s4, s25, $0xb8;
	[tilespmem:$0x1E400] =	vst v63  }
0x26: {  	s8 =	simm.s32 $0x80  }
0x27: {  	[tilespmem:s28], [sflag:$0x2] =	stream.indirect.gather [hbm4b:s2+s25], $0x80, s8, s25, $0xb8;
	[tilespmem:$0x1E400] =	vst v63  }
0x28: {  	_ =	swait.ge [sflag:s29], $0x4000  }
0x29: {  	[sflag:s29] =	ssyncset.done $0x0  }
0x2a: {  	s9 =	simm.s32 $0x1400;
	[sflag:s29] =	ssyncadd.s32 $0xFFFFC000  }
0x2b: {  	[spmem:s3] =	stream.indirect.scatter.add.f32 [tilespmem:s26], [sflag:$0x3], $0x80, s9, s25, $0xb8;
	[tilespmem:$0x1E400] =	vst v63  }
0x2c: {  	_ =	swait.ge [sflag:s23], $0x4000  }
0x2d: {  	[sflag:s23] =	ssyncset.done $0x0  }
0x2e: {  	s10 =	simm.s32 $0x100;
	[sflag:s23] =	ssyncadd.s32 $0xFFFFC000  }
0x2f: {  	[tilespmem:s26], [sflag:$0x1] =	stream.indirect.gather [hbm4b:s2+s25], $0x80, s10, s25, $0xb8;
	[tilespmem:$0x1E400] =	vst v63  }
0x30: {  	_ =	swait.ge [sflag:s30], $0x4000  }
0x31: {  	[sflag:s30] =	ssyncset.done $0x0  }
0x32: {  	s11 =	simm.s32 $0x1480;
	[sflag:s30] =	ssyncadd.s32 $0xFFFFC000  }
0x33: {  	[spmem:s3] =	stream.indirect.scatter.add.f32 [tilespmem:s28], [sflag:$0x3], $0x80, s11, s25, $0xb8;
	[tilespmem:$0x1E400] =	vst v63  }
0x34: {  	_ =	swait.ge [sflag:s23], $0x4000  }
0x35: {  	s7 =	simm.s32 $0x100;
	s8 =	simm.s32 $0x800;
	[sflag:s23] =	ssyncset.done $0x0  }
.LBB2_2:
0x36: {  	s9 =	sadd.s32 $0x80, s7  }
0x37: {  	[sflag:s23] =	ssyncadd.s32 $0xFFFFC000;
	s10 =	smov.u32 s8;
	s11 =	sadd.s32 $0x400, s8  }
0x38: {  	[tilespmem:s28], [sflag:$0x2] =	stream.indirect.gather [hbm4b:s2+s25], $0x80, s9, s25, $0xb8;
	[tilespmem:$0x1E400] =	vst v63  }
0x39: {  	p0 =	sne.s32 s8, $0x4800;
	_ =	swait.ge [sflag:s29], $0x4000  }
0x3a: {  	[sflag:s29] =	ssyncset.done $0x0  }
0x3b: {  	s8 =	sadd.s32 $0x1400, s7;
	[sflag:s29] =	ssyncadd.s32 $0xFFFFC000  }
0x3c: {  	[spmem:s3] =	stream.indirect.scatter.add.f32 [tilespmem:s26], [sflag:$0x3], $0x80, s8, s25, $0xb8;
	[tilespmem:$0x1E400] =	vst v63  }
0x3d: {  	_ =	swait.ge [sflag:s23], $0x4000  }
0x3e: {  	[sflag:s23] =	ssyncset.done $0x0  }
0x3f: {  	s8 =	sadd.s32 $0x100, s7;
	[sflag:s23] =	ssyncadd.s32 $0xFFFFC000  }
0x40: {  	[tilespmem:s26], [sflag:$0x1] =	stream.indirect.gather [hbm4b:s2+s25], $0x80, s8, s25, $0xb8;
	[tilespmem:$0x1E400] =	vst v63  }
0x41: {  	_ =	swait.ge [sflag:s30], $0x4000  }
.Ltmp0:
0x42: {  	[sflag:s30] =	ssyncset.done $0x0;
	(pc) =	sbr.rel @p0 .LBB2_2-.Ltmp0, $4  }
0x43: {  	s7 =	sadd.s32 $0x1480, s7;
	[sflag:s30] =	ssyncadd.s32 $0xFFFFC000  }
0x44: {  	[spmem:s3] =	stream.indirect.scatter.add.f32 [tilespmem:s28], [sflag:$0x3], $0x80, s7, s25, $0xb8;
	[tilespmem:$0x1E400] =	vst v63  }
0x45: {  	_ =	swait.ge [sflag:s23], $0x4000  }
0x46: {  	s8 =	smov.u32 s11;
	s7 =	sshra.s32 s10, $0x2;
	[sflag:s23] =	ssyncset.done $0x0  }
0x47: {  	s8 =	sadd.s32 $0x80, s7;
	[sflag:s23] =	ssyncadd.s32 $0xFFFFC000  }
0x48: {  	[tilespmem:s28], [sflag:$0x2] =	stream.indirect.gather [hbm4b:s2+s25], $0x80, s8, s25, $0xb8;
	[tilespmem:$0x1E400] =	vst v63  }
0x49: {  	_ =	swait.ge [sflag:s29], $0x4000  }
0x4a: {  	[sflag:s29] =	ssyncset.done $0x0  }
0x4b: {  	s11 =	sadd.s32 $0x1400, s7;
	[sflag:s29] =	ssyncadd.s32 $0xFFFFC000  }
0x4c: {  	[spmem:s3] =	stream.indirect.scatter.add.f32 [tilespmem:s26], [sflag:$0x3], $0x80, s11, s25, $0xb8;
	[tilespmem:$0x1E400] =	vst v63  }
0x4d: {  	_ =	swait.ge [sflag:s23], $0x4000  }
0x4e: {  	[sflag:s23] =	ssyncset.done $0x0  }
0x4f: {  	s9 =	sadd.s32 $0x100, s7;
	[sflag:s23] =	ssyncadd.s32 $0xFFFFC000  }
0x50: {  	[tilespmem:s26], [sflag:$0x1] =	stream.indirect.gather [hbm4b:s2+s25], $0x80, s9, s25, $0xb8;
	[tilespmem:$0x1E400] =	vst v63  }
0x51: {  	_ =	swait.ge [sflag:s30], $0x4000  }
0x52: {  	[sflag:s30] =	ssyncset.done $0x0  }
0x53: {  	s10 =	sadd.s32 $0x1480, s7;
	[sflag:s30] =	ssyncadd.s32 $0xFFFFC000  }
0x54: {  	[spmem:s3] =	stream.indirect.scatter.add.f32 [tilespmem:s28], [sflag:$0x3], $0x80, s10, s25, $0xb8;
	[tilespmem:$0x1E400] =	vst v63  }
0x55: {  	_ =	swait.ge [sflag:s23], $0x4000  }
0x56: {  	[sflag:s23] =	ssyncset.done $0x0  }
0x57: {  	[sflag:s23] =	ssyncadd.s32 $0xFFFFC000  }
0x58: {  	[tilespmem:s28], [sflag:$0x2] =	stream.indirect.gather [hbm4b:s2+s25], $0x80, s31, s25, $0xb8;
	[tilespmem:$0x1E400] =	vst v63  }
0x59: {  	_ =	swait.ge [sflag:s29], $0x4000  }
0x5a: {  	[sflag:s29] =	ssyncset.done $0x0  }
0x5b: {  	[sflag:s29] =	ssyncadd.s32 $0xFFFFC000  }
0x5c: {  	[spmem:s3] =	stream.indirect.scatter.add.f32 [tilespmem:s26], [sflag:$0x3], $0x80, s1, s25, $0xb8;
	[tilespmem:$0x1E400] =	vst v63  }
0x5d: {  	_ =	swait.ge [sflag:s23], $0x4000  }
0x5e: {  	[sflag:s23] =	ssyncset.done $0x0  }
0x5f: {  	[sflag:s23] =	ssyncadd.s32 $0xFFFFC000  }
0x60: {  	_ =	swait.ge [sflag:s30], $0x4000  }
0x61: {  	[sflag:s30] =	ssyncset.done $0x0  }
0x62: {  	[sflag:s30] =	ssyncadd.s32 $0xFFFFC000  }
0x63: {  	[spmem:s3] =	stream.indirect.scatter.add.f32 [tilespmem:s28], [sflag:$0x3], $0x80, s0, s25, $0xb8;
	[tilespmem:$0x1E400] =	vst v63  }
0x64: {  	_ =	swait.ge [sflag:s23], $0x4000  }
0x65: {  	[sflag:s23] =	ssyncset.done $0x0  }
0x66: {  	s11 =	simm.s32 $0x0;
	[sflag:s23] =	ssyncadd.s32 $0xFFFFC000  }
0x67: {  	[tilespmem:s11], [sflag:$0x3] =	stream.linear.gather [hbm4b:s20+s11], $0x1400, $0x38;
	[tilespmem:$0x1E400] =	vst v63  }
0x68: {  	_ =	swait.ge [sflag:s23], $0x1400  }
0x69: {  	[sflag:s23] =	ssyncset.done $0x0  }
0x6a: {  	[sflag:s23] =	ssyncadd.s32 $0xFFFFEC00  }
0x6b: {  	[tilespmem:s24], [sflag:$0x3] =	stream.linear.gather [hbm4b:s21+s11], $0x1400, $0x38;
	[tilespmem:$0x1E400] =	vst v63  }
0x6c: {  	_ =	swait.ge [sflag:s23], $0x1400  }
0x6d: {  	[sflag:s23] =	ssyncset.done $0x0  }
0x6e: {  	[sflag:s23] =	ssyncadd.s32 $0xFFFFEC00  }
0x6f: {  	[tilespmem:s26], [sflag:$0x1] =	stream.indirect.gather [hbm4b:s2+s25], $0x80, s11, s25, $0xb8;
	[tilespmem:$0x1E400] =	vst v63  }
0x70: {  	s8 =	simm.s32 $0x80  }
0x71: {  	[tilespmem:s28], [sflag:$0x2] =	stream.indirect.gather [hbm4b:s2+s25], $0x80, s8, s25, $0xb8;
	[tilespmem:$0x1E400] =	vst v63  }
0x72: {  	_ =	swait.ge [sflag:s29], $0x4000  }
0x73: {  	[sflag:s29] =	ssyncset.done $0x0  }
0x74: {  	s9 =	simm.s32 $0x1400;
	[sflag:s29] =	ssyncadd.s32 $0xFFFFC000  }
0x75: {  	[spmem:s3] =	stream.indirect.scatter.add.f32 [tilespmem:s26], [sflag:$0x3], $0x80, s9, s25, $0xb8;
	[tilespmem:$0x1E400] =	vst v63  }
0x76: {  	_ =	swait.ge [sflag:s23], $0x4000  }
0x77: {  	[sflag:s23] =	ssyncset.done $0x0  }
0x78: {  	s10 =	simm.s32 $0x100;
	[sflag:s23] =	ssyncadd.s32 $0xFFFFC000  }
0x79: {  	[tilespmem:s26], [sflag:$0x1] =	stream.indirect.gather [hbm4b:s2+s25], $0x80, s10, s25, $0xb8;
	[tilespmem:$0x1E400] =	vst v63  }
0x7a: {  	_ =	swait.ge [sflag:s30], $0x4000  }
0x7b: {  	[sflag:s30] =	ssyncset.done $0x0  }
0x7c: {  	s11 =	simm.s32 $0x1480;
	[sflag:s30] =	ssyncadd.s32 $0xFFFFC000  }
0x7d: {  	[spmem:s3] =	stream.indirect.scatter.add.f32 [tilespmem:s28], [sflag:$0x3], $0x80, s11, s25, $0xb8;
	[tilespmem:$0x1E400] =	vst v63  }
0x7e: {  	_ =	swait.ge [sflag:s23], $0x4000  }
0x7f: {  	s7 =	simm.s32 $0x100;
	s8 =	simm.s32 $0x800;
	[sflag:s23] =	ssyncset.done $0x0  }
.LBB2_4:
0x80: {  	s9 =	sadd.s32 $0x80, s7  }
0x81: {  	[sflag:s23] =	ssyncadd.s32 $0xFFFFC000;
	s10 =	smov.u32 s8;
	s11 =	sadd.s32 $0x400, s8  }
0x82: {  	[tilespmem:s28], [sflag:$0x2] =	stream.indirect.gather [hbm4b:s2+s25], $0x80, s9, s25, $0xb8;
	[tilespmem:$0x1E400] =	vst v63  }
0x83: {  	p0 =	sne.s32 s8, $0x4800;
	_ =	swait.ge [sflag:s29], $0x4000  }
0x84: {  	[sflag:s29] =	ssyncset.done $0x0  }
0x85: {  	s8 =	sadd.s32 $0x1400, s7;
	[sflag:s29] =	ssyncadd.s32 $0xFFFFC000  }
0x86: {  	[spmem:s3] =	stream.indirect.scatter.add.f32 [tilespmem:s26], [sflag:$0x3], $0x80, s8, s25, $0xb8;
	[tilespmem:$0x1E400] =	vst v63  }
0x87: {  	_ =	swait.ge [sflag:s23], $0x4000  }
0x88: {  	[sflag:s23] =	ssyncset.done $0x0  }
0x89: {  	s8 =	sadd.s32 $0x100, s7;
	[sflag:s23] =	ssyncadd.s32 $0xFFFFC000  }
0x8a: {  	[tilespmem:s26], [sflag:$0x1] =	stream.indirect.gather [hbm4b:s2+s25], $0x80, s8, s25, $0xb8;
	[tilespmem:$0x1E400] =	vst v63  }
0x8b: {  	_ =	swait.ge [sflag:s30], $0x4000  }
.Ltmp1:
0x8c: {  	[sflag:s30] =	ssyncset.done $0x0;
	(pc) =	sbr.rel @p0 .LBB2_4-.Ltmp1, $4  }
0x8d: {  	s7 =	sadd.s32 $0x1480, s7;
	[sflag:s30] =	ssyncadd.s32 $0xFFFFC000  }
0x8e: {  	[spmem:s3] =	stream.indirect.scatter.add.f32 [tilespmem:s28], [sflag:$0x3], $0x80, s7, s25, $0xb8;
	[tilespmem:$0x1E400] =	vst v63  }
0x8f: {  	_ =	swait.ge [sflag:s23], $0x4000  }
0x90: {  	s8 =	smov.u32 s11;
	s7 =	sshra.s32 s10, $0x2;
	[sflag:s23] =	ssyncset.done $0x0  }
0x91: {  	s8 =	sadd.s32 $0x80, s7;
	[sflag:s23] =	ssyncadd.s32 $0xFFFFC000  }
0x92: {  	[tilespmem:s28], [sflag:$0x2] =	stream.indirect.gather [hbm4b:s2+s25], $0x80, s8, s25, $0xb8;
	[tilespmem:$0x1E400] =	vst v63  }
0x93: {  	_ =	swait.ge [sflag:s29], $0x4000  }
0x94: {  	[sflag:s29] =	ssyncset.done $0x0  }
0x95: {  	s9 =	sadd.s32 $0x1400, s7;
	[sflag:s29] =	ssyncadd.s32 $0xFFFFC000  }
0x96: {  	[spmem:s3] =	stream.indirect.scatter.add.f32 [tilespmem:s26], [sflag:$0x3], $0x80, s9, s25, $0xb8;
	[tilespmem:$0x1E400] =	vst v63  }
0x97: {  	_ =	swait.ge [sflag:s23], $0x4000  }
0x98: {  	[sflag:s23] =	ssyncset.done $0x0  }
0x99: {  	s10 =	sadd.s32 $0x100, s7;
	[sflag:s23] =	ssyncadd.s32 $0xFFFFC000  }
0x9a: {  	[tilespmem:s26], [sflag:$0x1] =	stream.indirect.gather [hbm4b:s2+s25], $0x80, s10, s25, $0xb8;
	[tilespmem:$0x1E400] =	vst v63  }
0x9b: {  	_ =	swait.ge [sflag:s30], $0x4000  }
0x9c: {  	[sflag:s30] =	ssyncset.done $0x0  }
0x9d: {  	s11 =	sadd.s32 $0x1480, s7;
	[sflag:s30] =	ssyncadd.s32 $0xFFFFC000  }
0x9e: {  	[spmem:s3] =	stream.indirect.scatter.add.f32 [tilespmem:s28], [sflag:$0x3], $0x80, s11, s25, $0xb8;
	[tilespmem:$0x1E400] =	vst v63  }
0x9f: {  	_ =	swait.ge [sflag:s23], $0x4000  }
0xa0: {  	[sflag:s23] =	ssyncset.done $0x0  }
0xa1: {  	[sflag:s23] =	ssyncadd.s32 $0xFFFFC000  }
0xa2: {  	[tilespmem:s28], [sflag:$0x2] =	stream.indirect.gather [hbm4b:s2+s25], $0x80, s31, s25, $0xb8;
	[tilespmem:$0x1E400] =	vst v63  }
0xa3: {  	_ =	swait.ge [sflag:s29], $0x4000  }
0xa4: {  	[sflag:s29] =	ssyncset.done $0x0  }
0xa5: {  	[sflag:s29] =	ssyncadd.s32 $0xFFFFC000  }
0xa6: {  	[spmem:s3] =	stream.indirect.scatter.add.f32 [tilespmem:s26], [sflag:$0x3], $0x80, s1, s25, $0xb8;
	[tilespmem:$0x1E400] =	vst v63  }
0xa7: {  	_ =	swait.ge [sflag:s23], $0x4000  }
0xa8: {  	[sflag:s23] =	ssyncset.done $0x0  }
0xa9: {  	[sflag:s23] =	ssyncadd.s32 $0xFFFFC000  }
0xaa: {  	_ =	swait.ge [sflag:s30], $0x4000  }
0xab: {  	[sflag:s30] =	ssyncset.done $0x0  }
0xac: {  	[sflag:s30] =	ssyncadd.s32 $0xFFFFC000  }
0xad: {  	[spmem:s3] =	stream.indirect.scatter.add.f32 [tilespmem:s28], [sflag:$0x3], $0x80, s0, s25, $0xb8;
	[tilespmem:$0x1E400] =	vst v63  }
0xae: {  	_ =	swait.ge [sflag:s23], $0x4000  }
0xaf: {  	[sflag:s23] =	ssyncset.done $0x0  }
0xb0: {  	[sflag:s23] =	ssyncadd.s32 $0xFFFFC000  }
0xb1: {  	[bflag:$0x0] =	sbarrier.arrive $0xFFFF  }
0xb2: {  	[tilespmem:s26], [sflag:$0x3] =	stream.linear.gather [spmem:s6], $0x4000, $0x38;
	[tilespmem:$0x1E400] =	vst v63  }
0xb3: {  	_ =	swait.ge [sflag:s23], $0x4000  }
0xb4: {  	[sflag:s23] =	ssyncset.done $0x0  }
0xb5: {  	s8 =	rddreg [dreg:$0x9];
	[sflag:s23] =	ssyncadd.s32 $0xFFFFC000  }
0xb6: {  	[hbm4b:s8+s4] =	stream.linear.scatter [tilespmem:s26], [sflag:$0x3], $0x4000, $0x38;
	[tilespmem:$0x1E400] =	vst v63  }
0xb7: {  	_ =	swait.ge [sflag:s23], $0x4000  }
0xb8: {  	[sflag:s23] =	ssyncset.done $0x0  }
0xb9: {  	[sflag:s23] =	ssyncadd.s32 $0xFFFFC000  }
0xba: {  	[tilespmem:s26], [sflag:$0x3] =	stream.linear.gather [spmem:s12], $0x4000, $0x38;
	[tilespmem:$0x1E400] =	vst v63  }
0xbb: {  	_ =	swait.ge [sflag:s23], $0x4000  }
0xbc: {  	[sflag:s23] =	ssyncset.done $0x0  }
0xbd: {  	[sflag:s23] =	ssyncadd.s32 $0xFFFFC000  }
0xbe: {  	[hbm4b:s13+s4] =	stream.linear.scatter [tilespmem:s26], [sflag:$0x3], $0x4000, $0x38;
	[tilespmem:$0x1E400] =	vst v63  }
0xbf: {  	_ =	swait.ge [sflag:s23], $0x4000  }
0xc0: {  	[sflag:s23] =	ssyncset.done $0x0  }
0xc1: {  	[sflag:s23] =	ssyncadd.s32 $0xFFFFC000  }
0xc2: {  	[tilespmem:s26], [sflag:$0x3] =	stream.linear.gather [spmem:s14], $0x4000, $0x38;
	[tilespmem:$0x1E400] =	vst v63  }
0xc3: {  	_ =	swait.ge [sflag:s23], $0x4000  }
0xc4: {  	[sflag:s23] =	ssyncset.done $0x0  }
0xc5: {  	[sflag:s23] =	ssyncadd.s32 $0xFFFFC000  }
0xc6: {  	[hbm4b:s15+s4] =	stream.linear.scatter [tilespmem:s26], [sflag:$0x3], $0x4000, $0x38;
	[tilespmem:$0x1E400] =	vst v63  }
0xc7: {  	_ =	swait.ge [sflag:s23], $0x4000  }
0xc8: {  	[sflag:s23] =	ssyncset.done $0x0  }
0xc9: {  	[sflag:s23] =	ssyncadd.s32 $0xFFFFC000  }
0xca: {  	[tilespmem:s26], [sflag:$0x3] =	stream.linear.gather [spmem:s16], $0x4000, $0x38;
	[tilespmem:$0x1E400] =	vst v63  }
0xcb: {  	_ =	swait.ge [sflag:s23], $0x4000  }
0xcc: {  	[sflag:s23] =	ssyncset.done $0x0  }
0xcd: {  	[sflag:s23] =	ssyncadd.s32 $0xFFFFC000  }
0xce: {  	[hbm4b:s17+s4] =	stream.linear.scatter [tilespmem:s26], [sflag:$0x3], $0x4000, $0x38;
	[tilespmem:$0x1E400] =	vst v63  }
0xcf: {  	_ =	swait.ge [sflag:s23], $0x4000  }
0xd0: {  	[sflag:s23] =	ssyncset.done $0x0  }
0xd1: {  	s9 =	rddreg [dreg:$0x6];
	[sflag:s23] =	ssyncadd.s32 $0xFFFFC000  }
0xd2: {  	[tilespmem:s26], [sflag:$0x3] =	stream.linear.gather [spmem:s9], $0x3C00, $0x38;
	[tilespmem:$0x1E400] =	vst v63  }
0xd3: {  	_ =	swait.ge [sflag:s23], $0x3C00  }
0xd4: {  	[sflag:s23] =	ssyncset.done $0x0  }
0xd5: {  	s10 =	rddreg [dreg:$0x7];
	[sflag:s23] =	ssyncadd.s32 $0xFFFFC400  }
0xd6: {  	[hbm4b:s10+s4] =	stream.linear.scatter [tilespmem:s26], [sflag:$0x3], $0x3C00, $0x38;
	[tilespmem:$0x1E400] =	vst v63  }
0xd7: {  	_ =	swait.ge [sflag:s23], $0x3C00  }
0xd8: {  	s5 =	sadd.s32 $0x1, s5;
	s11 =	rddreg [dreg:$0x8]  }
0xd9: {  	p0 =	sne.s32 s5, s11  }
.Ltmp2:
0xda: {  	_ = 	snop;
	(pc) =	sbr.rel @p0 .LBB2_1-.Ltmp2, $3  }
0xdb: {  	[sflag:s23] =	ssyncset.done $0x0  }
0xdc: {  	[sflag:s23] =	ssyncadd.s32 $0xFFFFC400  }
0xdd: {  	[bflag:$0x0] =	sbarrier.arrive $0xFFFF;
	_ =	sdelay $0x1  }
0xde: {  	_ =	sfence.sel $0x180000  }
0xdf: {  	[bflag:$0x0] =	sbarrier.arrive $0xFFFF  }
0xe0: {  	_ =	strace $0x90000047  }
0xe1: {  	s0 =	stileid.u32;
	[bflag:$0x2] =	sbarrier.arrive $0xFFFF  }
0xe2: {  	p0 =	sne.s32 s0, $0x0;
	s0 =	rddreg [dreg:$0x3]  }
0xe3: {  	s0 =	sadd.s32 @!p0 $0x100000, s0  }
0xe4: {  	[sflag:s0] =	ssyncadd.tile.s32 @!p0 $0x1;
	_ =	shalt  }
.Lfunc_end2:
_tile_overlayer_lowered:
.L_overlay_start_2:
0xe5: {  	(tag) =	ssettag $0x2  }
0xe6: {  	s0 =	rddreg [dreg:$0x0];
	s2 =	stileid.u32  }
0xe7: {  	s1 =	rddreg [dreg:$0x1];
	p0 =	sne.s32 s2, $0x0  }
0xe8: {  	s3 =	rddreg [dreg:$0x2];
	[bflag:$0x3] =	sbarrier.arrive $0xFFFF;
	s2 =	simm.s32 @!p0 $0x1C03  }
0xe9: {  	[timem:s3], [sflag:s2] =	dma.local @!p0 [hbm:s0], s1  }
0xea: {  	s0 =	simm.s32 @!p0 $0x3  }
0xeb: {  	_ =	swait.ge @!p0 [sflag:s0], s1  }
0xec: {  	s1 =	ssub.s32 @!p0 $0x0, s1;
	[sflag:s0] =	ssyncset.done @!p0 $0x0  }
0xed: {  	[sflag:s0] =	ssyncadd.s32 @!p0 s1  }
0xee: {  	[bflag:$0x3] =	sbarrier.arrive $0xFFFF  }
0xef: {  	_ =	shalt  }

</sc_bundles>
